<compile_context>
chip_gen: v7x
topology: tpu7x:2x2x1
jax: 0.10.2.dev20260603
libtpu: 0.0.44.dev20260713+nightly
codegen_flags: <defaults>
</compile_context>

<pallas_src>
import functools

import jax
import jax.numpy as jnp
from jax import lax
from jax.experimental import pallas as pl
from jax.experimental.pallas import tpu as pltpu
from jax.experimental.pallas import tpu_sc as plsc

SIZE = 1024
DIM = 256
N_TOKENS = 16384
LR_SCALE = 1.0

BLK = 512
NB = N_TOKENS // BLK

_NC = 2
_NS = 16
_NW = _NC * _NS
_ROWS_PER_W = N_TOKENS // _NW
_CHUNK = 128
_NCHUNK = _ROWS_PER_W // _CHUNK


def _tc_body(x_ref, mw_ref, ls_ref, idx_ref, expt_ref, cn_ref):
    @pl.when(pl.program_id(0) == 0)
    def _():
        expt_ref[...] = jnp.exp(ls_ref[...] * LR_SCALE)
        c = mw_ref[...] * LR_SCALE
        cn_ref[...] = c / jnp.maximum(
            jnp.sqrt(jnp.sum(c * c, axis=1, keepdims=True)), 1e-8)

    x = x_ref[...]
    x = x / jnp.maximum(
        jnp.sqrt(jnp.sum(x * x, axis=1, keepdims=True)), 1e-8)
    s = lax.dot_general(x, cn_ref[...], (((1,), (1,)), ((), ())),
                        preferred_element_type=jnp.float32)
    m = jnp.max(s, axis=1, keepdims=True)
    cols = lax.broadcasted_iota(jnp.int32, s.shape, 1)
    idx = jnp.min(jnp.where(s == m, cols, SIZE), axis=1)
    idx_ref[...] = idx.reshape(1, 1, BLK)


def _tc_call(input_emb, mean_weight, log_std_weight):
    return pl.pallas_call(
        _tc_body,
        grid=(NB,),
        in_specs=[
            pl.BlockSpec((BLK, DIM), lambda i: (i, 0)),
            pl.BlockSpec((SIZE, DIM), lambda i: (0, 0)),
            pl.BlockSpec((SIZE, DIM), lambda i: (0, 0)),
        ],
        out_specs=[
            pl.BlockSpec((1, 1, BLK), lambda i: (i, 0, 0)),
            pl.BlockSpec((SIZE, DIM), lambda i: (0, 0)),
        ],
        out_shape=[
            jax.ShapeDtypeStruct((NB, 1, BLK), jnp.int32),
            jax.ShapeDtypeStruct((SIZE, DIM), jnp.float32),
        ],
        scratch_shapes=[pltpu.VMEM((SIZE, DIM), jnp.float32)],
    )(input_emb, mean_weight, log_std_weight)


@functools.cache
def _sc_gather():
    @functools.partial(
        pl.kernel,
        out_type=[
            jax.ShapeDtypeStruct((N_TOKENS, DIM), jnp.float32),
            jax.ShapeDtypeStruct((N_TOKENS, DIM), jnp.float32),
        ],
        mesh=plsc.VectorSubcoreMesh(core_axis_name="c", subcore_axis_name="s",
                                    num_cores=_NC, num_subcores=_NS),
        scratch_types=[
            pltpu.VMEM((_CHUNK,), jnp.int32),
            pltpu.VMEM((_CHUNK, DIM), jnp.float32),
            pltpu.VMEM((_CHUNK, DIM), jnp.float32),
            pltpu.SemaphoreType.DMA,
            pltpu.SemaphoreType.DMA,
        ],
        name="sc_gather",
    )
    def _gather(mean_hbm, expt_hbm, idx_hbm, meanq_hbm, stdq_hbm,
                idx_v, mrows, srows, sem1, sem2):
        wid = lax.axis_index("s") * _NC + lax.axis_index("c")
        for ci in range(_NCHUNK):
            base = wid * _ROWS_PER_W + ci * _CHUNK
            pltpu.sync_copy(idx_hbm.at[pl.ds(base, _CHUNK)], idx_v)
            c1 = pltpu.async_copy(mean_hbm.at[idx_v], mrows, sem1)
            c2 = pltpu.async_copy(expt_hbm.at[idx_v], srows, sem2)
            c1.wait()
            c2.wait()
            pltpu.sync_copy(mrows, meanq_hbm.at[pl.ds(base, _CHUNK)])
            pltpu.sync_copy(srows, stdq_hbm.at[pl.ds(base, _CHUNK)])

    return _gather


def kernel(input_emb, mean_weight, log_std_weight):
    idx3, expt = _tc_call(input_emb, mean_weight, log_std_weight)
    indices = idx3.reshape(N_TOKENS)
    mean_q, std_q = _sc_gather()(mean_weight, expt, indices)
    return indices, mean_q, std_q

# --- scband reference (transcript-rebuilt; emitter-appended) ---
"""Pipeline reference for scband-vocab-70944269795375 (READ-ONLY COPY).

The authoritative reference and input builder live on the scoring server;
editing this copy changes nothing except your own understanding.
"""

import jax, jax.numpy as jnp
import numpy as np

SIZE = 1024
DIM = 256
N_TOKENS = 16384
LR_SCALE = 1.0

def setup_inputs(seed: int = 0) -> dict:
    key = jax.random.key(seed)
    k1, k2, k3 = jax.random.split(key, 3)
    input_emb = jax.random.normal(k1, (N_TOKENS, DIM), dtype=jnp.float32)
    # learned parameters (learnable=True path: nn.Embedding weights)
    mean_weight = jax.random.normal(k2, (SIZE, DIM), dtype=jnp.float32)
    log_std_weight = jax.random.normal(k3, (SIZE, DIM), dtype=jnp.float32) * 0.1
    return {"input_emb": input_emb, "mean_weight": mean_weight, "log_std_weight": log_std_weight}

def _cos_norm(x):
    # torch.cosine_similarity uses eps=1e-8 clamp on the norm
    n = jnp.linalg.norm(x, axis=-1, keepdims=True)
    return x / jnp.maximum(n, 1e-8)

def reference(input_emb, mean_weight, log_std_weight):
    # learnable=True: centers = mean.weight.data * lr_scale (detached in torch)
    centers = jax.lax.stop_gradient(mean_weight) * LR_SCALE
    # use_mean=True branch: negative cosine similarity [N, SIZE]
    d = -jnp.matmul(_cos_norm(input_emb), _cos_norm(centers).T)
    indices = jnp.argmin(d, axis=-1)
    # quantized lookups (embedding gathers)
    mean_q = jnp.take(mean_weight, indices, axis=0) * LR_SCALE
    std_q = jnp.exp(jnp.take(log_std_weight, indices, axis=0) * LR_SCALE)
    # exp=False: no extra exponentiation
    return indices, mean_q, std_q

if __name__ == "__main__":
    import jax
    _d = setup_inputs()
    print(jax.jit(kernel)(*tuple(_d.values())))

</pallas_src>

<mosaic_0001>
#map = affine_map<(d0, d1) -> (0, 0)>
#map1 = affine_map<(d0, d1) -> (0)>
module attributes {stable_mosaic.version = 14 : i64} {
  func.func @sc_gather(%arg0: i32, %arg1: i32, %arg2: memref<1024x256xf32, #tpu.memory_space<hbm>>, %arg3: memref<1024x256xf32, #tpu.memory_space<hbm>>, %arg4: memref<16384xi32, #tpu.memory_space<hbm>>, %arg5: memref<16384x256xf32, #tpu.memory_space<hbm>>, %arg6: memref<16384x256xf32, #tpu.memory_space<hbm>>, %arg7: memref<128xi32, #tpu.memory_space<vmem>>, %arg8: memref<128x256xf32, #tpu.memory_space<vmem>>, %arg9: memref<128x256xf32, #tpu.memory_space<vmem>>, %arg10: memref<!tpu.dma_semaphore, #tpu.memory_space<semaphore_mem>>, %arg11: memref<!tpu.dma_semaphore, #tpu.memory_space<semaphore_mem>>) attributes {dimension_semantics = [#tpu.dimension_semantics<core_parallel>, #tpu.dimension_semantics<subcore_parallel>], iteration_bounds = array<i64: 2, 16>, scalar_prefetch = 0 : i64, scratch_operands = 5 : i64, tpu.core_type = #tpu.core_type<sc_vector_subcore>, window_params = [{transform_indices = #map}, {transform_indices = #map}, {transform_indices = #map1}, {transform_indices = #map}, {transform_indices = #map}]} {
    %mul3A = arith.constant 2 : i32
    %mul3A_0 = arith.muli %arg1, %mul3A : i32
    %add3A = arith.addi %mul3A_0, %arg0 : i32
    %mul3A_1 = arith.constant 512 : i32
    %mul3A_2 = arith.muli %add3A, %mul3A_1 : i32
    %add3A_3 = arith.constant 0 : i32
    %add3A_4 = arith.addi %mul3A_2, %add3A_3 : i32
    "tpu.region"() ({
      %run_scoped3A = tpu.sem_alloc : memref<!tpu.dma_semaphore, #tpu.memory_space<semaphore_mem>>
      %dma_start3A_63 = tpu.memref_slice %arg4[%add3A_4] : memref<16384xi32, #tpu.memory_space<hbm>> -> memref<128xi32, #tpu.memory_space<hbm>>
      %dma_start3A_64 = tpu.memref_slice %arg4[%add3A_4] : memref<16384xi32, #tpu.memory_space<hbm>> -> memref<128xi32, #tpu.memory_space<hbm>>
      tpu.enqueue_dma source(%dma_start3A_64 : memref<128xi32, #tpu.memory_space<hbm>>) target(%arg7 : memref<128xi32, #tpu.memory_space<vmem>>) target_semaphore(%run_scoped3A : memref<!tpu.dma_semaphore, #tpu.memory_space<semaphore_mem>>)
      %dma_wait3A_65 = tpu.memref_slice %arg4[%add3A_4] : memref<16384xi32, #tpu.memory_space<hbm>> -> memref<128xi32, #tpu.memory_space<hbm>>
      %dma_wait3A_66 = tpu.memref_slice %arg4[%add3A_4] : memref<16384xi32, #tpu.memory_space<hbm>> -> memref<128xi32, #tpu.memory_space<hbm>>
      tpu.wait_dma2 semaphore(%run_scoped3A : memref<!tpu.dma_semaphore, #tpu.memory_space<semaphore_mem>>) src(%dma_wait3A_66 : memref<128xi32, #tpu.memory_space<hbm>>) dst(%arg7 : memref<128xi32, #tpu.memory_space<vmem>>)
      tpu.yield
    }) : () -> ()
    %dma_start3A = arith.constant 0 : i32
    %dma_start3A_5 = arith.constant 0 : i32
    %dma_start3A_6 = tpu.memref_slice %arg2[%dma_start3A, %dma_start3A_5] : memref<1024x256xf32, #tpu.memory_space<hbm>> -> memref<1024x256xf32, #tpu.memory_space<hbm>>
    tpu.enqueue_indirect_dma source(%dma_start3A_6 : memref<1024x256xf32, #tpu.memory_space<hbm>>) target(%arg8 : memref<128x256xf32, #tpu.memory_space<vmem>>) offsets(%arg7 : memref<128xi32, #tpu.memory_space<vmem>>) semaphore(%arg10 : memref<!tpu.dma_semaphore, #tpu.memory_space<semaphore_mem>>)
    %dma_start3A_7 = arith.constant 0 : i32
    %dma_start3A_8 = arith.constant 0 : i32
    %dma_start3A_9 = tpu.memref_slice %arg3[%dma_start3A_7, %dma_start3A_8] : memref<1024x256xf32, #tpu.memory_space<hbm>> -> memref<1024x256xf32, #tpu.memory_space<hbm>>
    tpu.enqueue_indirect_dma source(%dma_start3A_9 : memref<1024x256xf32, #tpu.memory_space<hbm>>) target(%arg9 : memref<128x256xf32, #tpu.memory_space<vmem>>) offsets(%arg7 : memref<128xi32, #tpu.memory_space<vmem>>) semaphore(%arg11 : memref<!tpu.dma_semaphore, #tpu.memory_space<semaphore_mem>>)
    %dma_wait3A = arith.constant 0 : i32
    %dma_wait3A_10 = arith.constant 0 : i32
    %dma_wait3A_11 = tpu.memref_slice %arg2[%dma_wait3A, %dma_wait3A_10] : memref<1024x256xf32, #tpu.memory_space<hbm>> -> memref<1024x256xf32, #tpu.memory_space<hbm>>
    tpu.wait_indirect_dma semaphore(%arg10 : memref<!tpu.dma_semaphore, #tpu.memory_space<semaphore_mem>>) src(%dma_wait3A_11 : memref<1024x256xf32, #tpu.memory_space<hbm>>) dst(%arg8 : memref<128x256xf32, #tpu.memory_space<vmem>>)
    %dma_wait3A_12 = arith.constant 0 : i32
    %dma_wait3A_13 = arith.constant 0 : i32
    %dma_wait3A_14 = tpu.memref_slice %arg3[%dma_wait3A_12, %dma_wait3A_13] : memref<1024x256xf32, #tpu.memory_space<hbm>> -> memref<1024x256xf32, #tpu.memory_space<hbm>>
    tpu.wait_indirect_dma semaphore(%arg11 : memref<!tpu.dma_semaphore, #tpu.memory_space<semaphore_mem>>) src(%dma_wait3A_14 : memref<1024x256xf32, #tpu.memory_space<hbm>>) dst(%arg9 : memref<128x256xf32, #tpu.memory_space<vmem>>)
    "tpu.region"() ({
      %run_scoped3A = tpu.sem_alloc : memref<!tpu.dma_semaphore, #tpu.memory_space<semaphore_mem>>
      %dma_start3A_63 = arith.constant 0 : i32
      %dma_start3A_64 = tpu.memref_slice %arg5[%add3A_4, %dma_start3A_63] : memref<16384x256xf32, #tpu.memory_space<hbm>> -> memref<128x256xf32, #tpu.memory_space<hbm>>
      %dma_start3A_65 = arith.constant 0 : i32
      %dma_start3A_66 = tpu.memref_slice %arg5[%add3A_4, %dma_start3A_65] : memref<16384x256xf32, #tpu.memory_space<hbm>> -> memref<128x256xf32, #tpu.memory_space<hbm>>
      tpu.enqueue_dma source(%arg8 : memref<128x256xf32, #tpu.memory_space<vmem>>) target(%dma_start3A_66 : memref<128x256xf32, #tpu.memory_space<hbm>>) target_semaphore(%run_scoped3A : memref<!tpu.dma_semaphore, #tpu.memory_space<semaphore_mem>>)
      %dma_wait3A_67 = arith.constant 0 : i32
      %dma_wait3A_68 = tpu.memref_slice %arg5[%add3A_4, %dma_wait3A_67] : memref<16384x256xf32, #tpu.memory_space<hbm>> -> memref<128x256xf32, #tpu.memory_space<hbm>>
      %dma_wait3A_69 = arith.constant 0 : i32
      %dma_wait3A_70 = tpu.memref_slice %arg5[%add3A_4, %dma_wait3A_69] : memref<16384x256xf32, #tpu.memory_space<hbm>> -> memref<128x256xf32, #tpu.memory_space<hbm>>
      tpu.wait_dma2 semaphore(%run_scoped3A : memref<!tpu.dma_semaphore, #tpu.memory_space<semaphore_mem>>) src(%arg8 : memref<128x256xf32, #tpu.memory_space<vmem>>) dst(%dma_wait3A_70 : memref<128x256xf32, #tpu.memory_space<hbm>>)
      tpu.yield
    }) : () -> ()
    "tpu.region"() ({
      %run_scoped3A = tpu.sem_alloc : memref<!tpu.dma_semaphore, #tpu.memory_space<semaphore_mem>>
      %dma_start3A_63 = arith.constant 0 : i32
      %dma_start3A_64 = tpu.memref_slice %arg6[%add3A_4, %dma_start3A_63] : memref<16384x256xf32, #tpu.memory_space<hbm>> -> memref<128x256xf32, #tpu.memory_space<hbm>>
      %dma_start3A_65 = arith.constant 0 : i32
      %dma_start3A_66 = tpu.memref_slice %arg6[%add3A_4, %dma_start3A_65] : memref<16384x256xf32, #tpu.memory_space<hbm>> -> memref<128x256xf32, #tpu.memory_space<hbm>>
      tpu.enqueue_dma source(%arg9 : memref<128x256xf32, #tpu.memory_space<vmem>>) target(%dma_start3A_66 : memref<128x256xf32, #tpu.memory_space<hbm>>) target_semaphore(%run_scoped3A : memref<!tpu.dma_semaphore, #tpu.memory_space<semaphore_mem>>)
      %dma_wait3A_67 = arith.constant 0 : i32
      %dma_wait3A_68 = tpu.memref_slice %arg6[%add3A_4, %dma_wait3A_67] : memref<16384x256xf32, #tpu.memory_space<hbm>> -> memref<128x256xf32, #tpu.memory_space<hbm>>
      %dma_wait3A_69 = arith.constant 0 : i32
      %dma_wait3A_70 = tpu.memref_slice %arg6[%add3A_4, %dma_wait3A_69] : memref<16384x256xf32, #tpu.memory_space<hbm>> -> memref<128x256xf32, #tpu.memory_space<hbm>>
      tpu.wait_dma2 semaphore(%run_scoped3A : memref<!tpu.dma_semaphore, #tpu.memory_space<semaphore_mem>>) src(%arg9 : memref<128x256xf32, #tpu.memory_space<vmem>>) dst(%dma_wait3A_70 : memref<128x256xf32, #tpu.memory_space<hbm>>)
      tpu.yield
    }) : () -> ()
    %mul3A_15 = arith.constant 512 : i32
    %mul3A_16 = arith.muli %add3A, %mul3A_15 : i32
    %add3A_17 = arith.constant 128 : i32
    %add3A_18 = arith.addi %mul3A_16, %add3A_17 : i32
    "tpu.region"() ({
      %run_scoped3A = tpu.sem_alloc : memref<!tpu.dma_semaphore, #tpu.memory_space<semaphore_mem>>
      %dma_start3A_63 = tpu.memref_slice %arg4[%add3A_18] : memref<16384xi32, #tpu.memory_space<hbm>> -> memref<128xi32, #tpu.memory_space<hbm>>
      %dma_start3A_64 = tpu.memref_slice %arg4[%add3A_18] : memref<16384xi32, #tpu.memory_space<hbm>> -> memref<128xi32, #tpu.memory_space<hbm>>
      tpu.enqueue_dma source(%dma_start3A_64 : memref<128xi32, #tpu.memory_space<hbm>>) target(%arg7 : memref<128xi32, #tpu.memory_space<vmem>>) target_semaphore(%run_scoped3A : memref<!tpu.dma_semaphore, #tpu.memory_space<semaphore_mem>>)
      %dma_wait3A_65 = tpu.memref_slice %arg4[%add3A_18] : memref<16384xi32, #tpu.memory_space<hbm>> -> memref<128xi32, #tpu.memory_space<hbm>>
      %dma_wait3A_66 = tpu.memref_slice %arg4[%add3A_18] : memref<16384xi32, #tpu.memory_space<hbm>> -> memref<128xi32, #tpu.memory_space<hbm>>
      tpu.wait_dma2 semaphore(%run_scoped3A : memref<!tpu.dma_semaphore, #tpu.memory_space<semaphore_mem>>) src(%dma_wait3A_66 : memref<128xi32, #tpu.memory_space<hbm>>) dst(%arg7 : memref<128xi32, #tpu.memory_space<vmem>>)
      tpu.yield
    }) : () -> ()
    %dma_start3A_19 = arith.constant 0 : i32
    %dma_start3A_20 = arith.constant 0 : i32
    %dma_start3A_21 = tpu.memref_slice %arg2[%dma_start3A_19, %dma_start3A_20] : memref<1024x256xf32, #tpu.memory_space<hbm>> -> memref<1024x256xf32, #tpu.memory_space<hbm>>
    tpu.enqueue_indirect_dma source(%dma_start3A_21 : memref<1024x256xf32, #tpu.memory_space<hbm>>) target(%arg8 : memref<128x256xf32, #tpu.memory_space<vmem>>) offsets(%arg7 : memref<128xi32, #tpu.memory_space<vmem>>) semaphore(%arg10 : memref<!tpu.dma_semaphore, #tpu.memory_space<semaphore_mem>>)
    %dma_start3A_22 = arith.constant 0 : i32
    %dma_start3A_23 = arith.constant 0 : i32
    %dma_start3A_24 = tpu.memref_slice %arg3[%dma_start3A_22, %dma_start3A_23] : memref<1024x256xf32, #tpu.memory_space<hbm>> -> memref<1024x256xf32, #tpu.memory_space<hbm>>
    tpu.enqueue_indirect_dma source(%dma_start3A_24 : memref<1024x256xf32, #tpu.memory_space<hbm>>) target(%arg9 : memref<128x256xf32, #tpu.memory_space<vmem>>) offsets(%arg7 : memref<128xi32, #tpu.memory_space<vmem>>) semaphore(%arg11 : memref<!tpu.dma_semaphore, #tpu.memory_space<semaphore_mem>>)
    %dma_wait3A_25 = arith.constant 0 : i32
    %dma_wait3A_26 = arith.constant 0 : i32
    %dma_wait3A_27 = tpu.memref_slice %arg2[%dma_wait3A_25, %dma_wait3A_26] : memref<1024x256xf32, #tpu.memory_space<hbm>> -> memref<1024x256xf32, #tpu.memory_space<hbm>>
    tpu.wait_indirect_dma semaphore(%arg10 : memref<!tpu.dma_semaphore, #tpu.memory_space<semaphore_mem>>) src(%dma_wait3A_27 : memref<1024x256xf32, #tpu.memory_space<hbm>>) dst(%arg8 : memref<128x256xf32, #tpu.memory_space<vmem>>)
    %dma_wait3A_28 = arith.constant 0 : i32
    %dma_wait3A_29 = arith.constant 0 : i32
    %dma_wait3A_30 = tpu.memref_slice %arg3[%dma_wait3A_28, %dma_wait3A_29] : memref<1024x256xf32, #tpu.memory_space<hbm>> -> memref<1024x256xf32, #tpu.memory_space<hbm>>
    tpu.wait_indirect_dma semaphore(%arg11 : memref<!tpu.dma_semaphore, #tpu.memory_space<semaphore_mem>>) src(%dma_wait3A_30 : memref<1024x256xf32, #tpu.memory_space<hbm>>) dst(%arg9 : memref<128x256xf32, #tpu.memory_space<vmem>>)
    "tpu.region"() ({
      %run_scoped3A = tpu.sem_alloc : memref<!tpu.dma_semaphore, #tpu.memory_space<semaphore_mem>>
      %dma_start3A_63 = arith.constant 0 : i32
      %dma_start3A_64 = tpu.memref_slice %arg5[%add3A_18, %dma_start3A_63] : memref<16384x256xf32, #tpu.memory_space<hbm>> -> memref<128x256xf32, #tpu.memory_space<hbm>>
      %dma_start3A_65 = arith.constant 0 : i32
      %dma_start3A_66 = tpu.memref_slice %arg5[%add3A_18, %dma_start3A_65] : memref<16384x256xf32, #tpu.memory_space<hbm>> -> memref<128x256xf32, #tpu.memory_space<hbm>>
      tpu.enqueue_dma source(%arg8 : memref<128x256xf32, #tpu.memory_space<vmem>>) target(%dma_start3A_66 : memref<128x256xf32, #tpu.memory_space<hbm>>) target_semaphore(%run_scoped3A : memref<!tpu.dma_semaphore, #tpu.memory_space<semaphore_mem>>)
      %dma_wait3A_67 = arith.constant 0 : i32
      %dma_wait3A_68 = tpu.memref_slice %arg5[%add3A_18, %dma_wait3A_67] : memref<16384x256xf32, #tpu.memory_space<hbm>> -> memref<128x256xf32, #tpu.memory_space<hbm>>
      %dma_wait3A_69 = arith.constant 0 : i32
      %dma_wait3A_70 = tpu.memref_slice %arg5[%add3A_18, %dma_wait3A_69] : memref<16384x256xf32, #tpu.memory_space<hbm>> -> memref<128x256xf32, #tpu.memory_space<hbm>>
      tpu.wait_dma2 semaphore(%run_scoped3A : memref<!tpu.dma_semaphore, #tpu.memory_space<semaphore_mem>>) src(%arg8 : memref<128x256xf32, #tpu.memory_space<vmem>>) dst(%dma_wait3A_70 : memref<128x256xf32, #tpu.memory_space<hbm>>)
      tpu.yield
    }) : () -> ()
    "tpu.region"() ({
      %run_scoped3A = tpu.sem_alloc : memref<!tpu.dma_semaphore, #tpu.memory_space<semaphore_mem>>
      %dma_start3A_63 = arith.constant 0 : i32
      %dma_start3A_64 = tpu.memref_slice %arg6[%add3A_18, %dma_start3A_63] : memref<16384x256xf32, #tpu.memory_space<hbm>> -> memref<128x256xf32, #tpu.memory_space<hbm>>
      %dma_start3A_65 = arith.constant 0 : i32
      %dma_start3A_66 = tpu.memref_slice %arg6[%add3A_18, %dma_start3A_65] : memref<16384x256xf32, #tpu.memory_space<hbm>> -> memref<128x256xf32, #tpu.memory_space<hbm>>
      tpu.enqueue_dma source(%arg9 : memref<128x256xf32, #tpu.memory_space<vmem>>) target(%dma_start3A_66 : memref<128x256xf32, #tpu.memory_space<hbm>>) target_semaphore(%run_scoped3A : memref<!tpu.dma_semaphore, #tpu.memory_space<semaphore_mem>>)
      %dma_wait3A_67 = arith.constant 0 : i32
      %dma_wait3A_68 = tpu.memref_slice %arg6[%add3A_18, %dma_wait3A_67] : memref<16384x256xf32, #tpu.memory_space<hbm>> -> memref<128x256xf32, #tpu.memory_space<hbm>>
      %dma_wait3A_69 = arith.constant 0 : i32
      %dma_wait3A_70 = tpu.memref_slice %arg6[%add3A_18, %dma_wait3A_69] : memref<16384x256xf32, #tpu.memory_space<hbm>> -> memref<128x256xf32, #tpu.memory_space<hbm>>
      tpu.wait_dma2 semaphore(%run_scoped3A : memref<!tpu.dma_semaphore, #tpu.memory_space<semaphore_mem>>) src(%arg9 : memref<128x256xf32, #tpu.memory_space<vmem>>) dst(%dma_wait3A_70 : memref<128x256xf32, #tpu.memory_space<hbm>>)
      tpu.yield
    }) : () -> ()
    %mul3A_31 = arith.constant 512 : i32
    %mul3A_32 = arith.muli %add3A, %mul3A_31 : i32
    %add3A_33 = arith.constant 256 : i32
    %add3A_34 = arith.addi %mul3A_32, %add3A_33 : i32
    "tpu.region"() ({
      %run_scoped3A = tpu.sem_alloc : memref<!tpu.dma_semaphore, #tpu.memory_space<semaphore_mem>>
      %dma_start3A_63 = tpu.memref_slice %arg4[%add3A_34] : memref<16384xi32, #tpu.memory_space<hbm>> -> memref<128xi32, #tpu.memory_space<hbm>>
      %dma_start3A_64 = tpu.memref_slice %arg4[%add3A_34] : memref<16384xi32, #tpu.memory_space<hbm>> -> memref<128xi32, #tpu.memory_space<hbm>>
      tpu.enqueue_dma source(%dma_start3A_64 : memref<128xi32, #tpu.memory_space<hbm>>) target(%arg7 : memref<128xi32, #tpu.memory_space<vmem>>) target_semaphore(%run_scoped3A : memref<!tpu.dma_semaphore, #tpu.memory_space<semaphore_mem>>)
      %dma_wait3A_65 = tpu.memref_slice %arg4[%add3A_34] : memref<16384xi32, #tpu.memory_space<hbm>> -> memref<128xi32, #tpu.memory_space<hbm>>
      %dma_wait3A_66 = tpu.memref_slice %arg4[%add3A_34] : memref<16384xi32, #tpu.memory_space<hbm>> -> memref<128xi32, #tpu.memory_space<hbm>>
      tpu.wait_dma2 semaphore(%run_scoped3A : memref<!tpu.dma_semaphore, #tpu.memory_space<semaphore_mem>>) src(%dma_wait3A_66 : memref<128xi32, #tpu.memory_space<hbm>>) dst(%arg7 : memref<128xi32, #tpu.memory_space<vmem>>)
      tpu.yield
    }) : () -> ()
    %dma_start3A_35 = arith.constant 0 : i32
    %dma_start3A_36 = arith.constant 0 : i32
    %dma_start3A_37 = tpu.memref_slice %arg2[%dma_start3A_35, %dma_start3A_36] : memref<1024x256xf32, #tpu.memory_space<hbm>> -> memref<1024x256xf32, #tpu.memory_space<hbm>>
    tpu.enqueue_indirect_dma source(%dma_start3A_37 : memref<1024x256xf32, #tpu.memory_space<hbm>>) target(%arg8 : memref<128x256xf32, #tpu.memory_space<vmem>>) offsets(%arg7 : memref<128xi32, #tpu.memory_space<vmem>>) semaphore(%arg10 : memref<!tpu.dma_semaphore, #tpu.memory_space<semaphore_mem>>)
    %dma_start3A_38 = arith.constant 0 : i32
    %dma_start3A_39 = arith.constant 0 : i32
    %dma_start3A_40 = tpu.memref_slice %arg3[%dma_start3A_38, %dma_start3A_39] : memref<1024x256xf32, #tpu.memory_space<hbm>> -> memref<1024x256xf32, #tpu.memory_space<hbm>>
    tpu.enqueue_indirect_dma source(%dma_start3A_40 : memref<1024x256xf32, #tpu.memory_space<hbm>>) target(%arg9 : memref<128x256xf32, #tpu.memory_space<vmem>>) offsets(%arg7 : memref<128xi32, #tpu.memory_space<vmem>>) semaphore(%arg11 : memref<!tpu.dma_semaphore, #tpu.memory_space<semaphore_mem>>)
    %dma_wait3A_41 = arith.constant 0 : i32
    %dma_wait3A_42 = arith.constant 0 : i32
    %dma_wait3A_43 = tpu.memref_slice %arg2[%dma_wait3A_41, %dma_wait3A_42] : memref<1024x256xf32, #tpu.memory_space<hbm>> -> memref<1024x256xf32, #tpu.memory_space<hbm>>
    tpu.wait_indirect_dma semaphore(%arg10 : memref<!tpu.dma_semaphore, #tpu.memory_space<semaphore_mem>>) src(%dma_wait3A_43 : memref<1024x256xf32, #tpu.memory_space<hbm>>) dst(%arg8 : memref<128x256xf32, #tpu.memory_space<vmem>>)
    %dma_wait3A_44 = arith.constant 0 : i32
    %dma_wait3A_45 = arith.constant 0 : i32
    %dma_wait3A_46 = tpu.memref_slice %arg3[%dma_wait3A_44, %dma_wait3A_45] : memref<1024x256xf32, #tpu.memory_space<hbm>> -> memref<1024x256xf32, #tpu.memory_space<hbm>>
    tpu.wait_indirect_dma semaphore(%arg11 : memref<!tpu.dma_semaphore, #tpu.memory_space<semaphore_mem>>) src(%dma_wait3A_46 : memref<1024x256xf32, #tpu.memory_space<hbm>>) dst(%arg9 : memref<128x256xf32, #tpu.memory_space<vmem>>)
    "tpu.region"() ({
      %run_scoped3A = tpu.sem_alloc : memref<!tpu.dma_semaphore, #tpu.memory_space<semaphore_mem>>
      %dma_start3A_63 = arith.constant 0 : i32
      %dma_start3A_64 = tpu.memref_slice %arg5[%add3A_34, %dma_start3A_63] : memref<16384x256xf32, #tpu.memory_space<hbm>> -> memref<128x256xf32, #tpu.memory_space<hbm>>
      %dma_start3A_65 = arith.constant 0 : i32
      %dma_start3A_66 = tpu.memref_slice %arg5[%add3A_34, %dma_start3A_65] : memref<16384x256xf32, #tpu.memory_space<hbm>> -> memref<128x256xf32, #tpu.memory_space<hbm>>
      tpu.enqueue_dma source(%arg8 : memref<128x256xf32, #tpu.memory_space<vmem>>) target(%dma_start3A_66 : memref<128x256xf32, #tpu.memory_space<hbm>>) target_semaphore(%run_scoped3A : memref<!tpu.dma_semaphore, #tpu.memory_space<semaphore_mem>>)
      %dma_wait3A_67 = arith.constant 0 : i32
      %dma_wait3A_68 = tpu.memref_slice %arg5[%add3A_34, %dma_wait3A_67] : memref<16384x256xf32, #tpu.memory_space<hbm>> -> memref<128x256xf32, #tpu.memory_space<hbm>>
      %dma_wait3A_69 = arith.constant 0 : i32
      %dma_wait3A_70 = tpu.memref_slice %arg5[%add3A_34, %dma_wait3A_69] : memref<16384x256xf32, #tpu.memory_space<hbm>> -> memref<128x256xf32, #tpu.memory_space<hbm>>
      tpu.wait_dma2 semaphore(%run_scoped3A : memref<!tpu.dma_semaphore, #tpu.memory_space<semaphore_mem>>) src(%arg8 : memref<128x256xf32, #tpu.memory_space<vmem>>) dst(%dma_wait3A_70 : memref<128x256xf32, #tpu.memory_space<hbm>>)
      tpu.yield
    }) : () -> ()
    "tpu.region"() ({
      %run_scoped3A = tpu.sem_alloc : memref<!tpu.dma_semaphore, #tpu.memory_space<semaphore_mem>>
      %dma_start3A_63 = arith.constant 0 : i32
      %dma_start3A_64 = tpu.memref_slice %arg6[%add3A_34, %dma_start3A_63] : memref<16384x256xf32, #tpu.memory_space<hbm>> -> memref<128x256xf32, #tpu.memory_space<hbm>>
      %dma_start3A_65 = arith.constant 0 : i32
      %dma_start3A_66 = tpu.memref_slice %arg6[%add3A_34, %dma_start3A_65] : memref<16384x256xf32, #tpu.memory_space<hbm>> -> memref<128x256xf32, #tpu.memory_space<hbm>>
      tpu.enqueue_dma source(%arg9 : memref<128x256xf32, #tpu.memory_space<vmem>>) target(%dma_start3A_66 : memref<128x256xf32, #tpu.memory_space<hbm>>) target_semaphore(%run_scoped3A : memref<!tpu.dma_semaphore, #tpu.memory_space<semaphore_mem>>)
      %dma_wait3A_67 = arith.constant 0 : i32
      %dma_wait3A_68 = tpu.memref_slice %arg6[%add3A_34, %dma_wait3A_67] : memref<16384x256xf32, #tpu.memory_space<hbm>> -> memref<128x256xf32, #tpu.memory_space<hbm>>
      %dma_wait3A_69 = arith.constant 0 : i32
      %dma_wait3A_70 = tpu.memref_slice %arg6[%add3A_34, %dma_wait3A_69] : memref<16384x256xf32, #tpu.memory_space<hbm>> -> memref<128x256xf32, #tpu.memory_space<hbm>>
      tpu.wait_dma2 semaphore(%run_scoped3A : memref<!tpu.dma_semaphore, #tpu.memory_space<semaphore_mem>>) src(%arg9 : memref<128x256xf32, #tpu.memory_space<vmem>>) dst(%dma_wait3A_70 : memref<128x256xf32, #tpu.memory_space<hbm>>)
      tpu.yield
    }) : () -> ()
    %mul3A_47 = arith.constant 512 : i32
    %mul3A_48 = arith.muli %add3A, %mul3A_47 : i32
    %add3A_49 = arith.constant 384 : i32
    %add3A_50 = arith.addi %mul3A_48, %add3A_49 : i32
    "tpu.region"() ({
      %run_scoped3A = tpu.sem_alloc : memref<!tpu.dma_semaphore, #tpu.memory_space<semaphore_mem>>
      %dma_start3A_63 = tpu.memref_slice %arg4[%add3A_50] : memref<16384xi32, #tpu.memory_space<hbm>> -> memref<128xi32, #tpu.memory_space<hbm>>
      %dma_start3A_64 = tpu.memref_slice %arg4[%add3A_50] : memref<16384xi32, #tpu.memory_space<hbm>> -> memref<128xi32, #tpu.memory_space<hbm>>
      tpu.enqueue_dma source(%dma_start3A_64 : memref<128xi32, #tpu.memory_space<hbm>>) target(%arg7 : memref<128xi32, #tpu.memory_space<vmem>>) target_semaphore(%run_scoped3A : memref<!tpu.dma_semaphore, #tpu.memory_space<semaphore_mem>>)
      %dma_wait3A_65 = tpu.memref_slice %arg4[%add3A_50] : memref<16384xi32, #tpu.memory_space<hbm>> -> memref<128xi32, #tpu.memory_space<hbm>>
      %dma_wait3A_66 = tpu.memref_slice %arg4[%add3A_50] : memref<16384xi32, #tpu.memory_space<hbm>> -> memref<128xi32, #tpu.memory_space<hbm>>
      tpu.wait_dma2 semaphore(%run_scoped3A : memref<!tpu.dma_semaphore, #tpu.memory_space<semaphore_mem>>) src(%dma_wait3A_66 : memref<128xi32, #tpu.memory_space<hbm>>) dst(%arg7 : memref<128xi32, #tpu.memory_space<vmem>>)
      tpu.yield
    }) : () -> ()
    %dma_start3A_51 = arith.constant 0 : i32
    %dma_start3A_52 = arith.constant 0 : i32
    %dma_start3A_53 = tpu.memref_slice %arg2[%dma_start3A_51, %dma_start3A_52] : memref<1024x256xf32, #tpu.memory_space<hbm>> -> memref<1024x256xf32, #tpu.memory_space<hbm>>
    tpu.enqueue_indirect_dma source(%dma_start3A_53 : memref<1024x256xf32, #tpu.memory_space<hbm>>) target(%arg8 : memref<128x256xf32, #tpu.memory_space<vmem>>) offsets(%arg7 : memref<128xi32, #tpu.memory_space<vmem>>) semaphore(%arg10 : memref<!tpu.dma_semaphore, #tpu.memory_space<semaphore_mem>>)
    %dma_start3A_54 = arith.constant 0 : i32
    %dma_start3A_55 = arith.constant 0 : i32
    %dma_start3A_56 = tpu.memref_slice %arg3[%dma_start3A_54, %dma_start3A_55] : memref<1024x256xf32, #tpu.memory_space<hbm>> -> memref<1024x256xf32, #tpu.memory_space<hbm>>
    tpu.enqueue_indirect_dma source(%dma_start3A_56 : memref<1024x256xf32, #tpu.memory_space<hbm>>) target(%arg9 : memref<128x256xf32, #tpu.memory_space<vmem>>) offsets(%arg7 : memref<128xi32, #tpu.memory_space<vmem>>) semaphore(%arg11 : memref<!tpu.dma_semaphore, #tpu.memory_space<semaphore_mem>>)
    %dma_wait3A_57 = arith.constant 0 : i32
    %dma_wait3A_58 = arith.constant 0 : i32
    %dma_wait3A_59 = tpu.memref_slice %arg2[%dma_wait3A_57, %dma_wait3A_58] : memref<1024x256xf32, #tpu.memory_space<hbm>> -> memref<1024x256xf32, #tpu.memory_space<hbm>>
    tpu.wait_indirect_dma semaphore(%arg10 : memref<!tpu.dma_semaphore, #tpu.memory_space<semaphore_mem>>) src(%dma_wait3A_59 : memref<1024x256xf32, #tpu.memory_space<hbm>>) dst(%arg8 : memref<128x256xf32, #tpu.memory_space<vmem>>)
    %dma_wait3A_60 = arith.constant 0 : i32
    %dma_wait3A_61 = arith.constant 0 : i32
    %dma_wait3A_62 = tpu.memref_slice %arg3[%dma_wait3A_60, %dma_wait3A_61] : memref<1024x256xf32, #tpu.memory_space<hbm>> -> memref<1024x256xf32, #tpu.memory_space<hbm>>
    tpu.wait_indirect_dma semaphore(%arg11 : memref<!tpu.dma_semaphore, #tpu.memory_space<semaphore_mem>>) src(%dma_wait3A_62 : memref<1024x256xf32, #tpu.memory_space<hbm>>) dst(%arg9 : memref<128x256xf32, #tpu.memory_space<vmem>>)
    "tpu.region"() ({
      %run_scoped3A = tpu.sem_alloc : memref<!tpu.dma_semaphore, #tpu.memory_space<semaphore_mem>>
      %dma_start3A_63 = arith.constant 0 : i32
      %dma_start3A_64 = tpu.memref_slice %arg5[%add3A_50, %dma_start3A_63] : memref<16384x256xf32, #tpu.memory_space<hbm>> -> memref<128x256xf32, #tpu.memory_space<hbm>>
      %dma_start3A_65 = arith.constant 0 : i32
      %dma_start3A_66 = tpu.memref_slice %arg5[%add3A_50, %dma_start3A_65] : memref<16384x256xf32, #tpu.memory_space<hbm>> -> memref<128x256xf32, #tpu.memory_space<hbm>>
      tpu.enqueue_dma source(%arg8 : memref<128x256xf32, #tpu.memory_space<vmem>>) target(%dma_start3A_66 : memref<128x256xf32, #tpu.memory_space<hbm>>) target_semaphore(%run_scoped3A : memref<!tpu.dma_semaphore, #tpu.memory_space<semaphore_mem>>)
      %dma_wait3A_67 = arith.constant 0 : i32
      %dma_wait3A_68 = tpu.memref_slice %arg5[%add3A_50, %dma_wait3A_67] : memref<16384x256xf32, #tpu.memory_space<hbm>> -> memref<128x256xf32, #tpu.memory_space<hbm>>
      %dma_wait3A_69 = arith.constant 0 : i32
      %dma_wait3A_70 = tpu.memref_slice %arg5[%add3A_50, %dma_wait3A_69] : memref<16384x256xf32, #tpu.memory_space<hbm>> -> memref<128x256xf32, #tpu.memory_space<hbm>>
      tpu.wait_dma2 semaphore(%run_scoped3A : memref<!tpu.dma_semaphore, #tpu.memory_space<semaphore_mem>>) src(%arg8 : memref<128x256xf32, #tpu.memory_space<vmem>>) dst(%dma_wait3A_70 : memref<128x256xf32, #tpu.memory_space<hbm>>)
      tpu.yield
    }) : () -> ()
    "tpu.region"() ({
      %run_scoped3A = tpu.sem_alloc : memref<!tpu.dma_semaphore, #tpu.memory_space<semaphore_mem>>
      %dma_start3A_63 = arith.constant 0 : i32
      %dma_start3A_64 = tpu.memref_slice %arg6[%add3A_50, %dma_start3A_63] : memref<16384x256xf32, #tpu.memory_space<hbm>> -> memref<128x256xf32, #tpu.memory_space<hbm>>
      %dma_start3A_65 = arith.constant 0 : i32
      %dma_start3A_66 = tpu.memref_slice %arg6[%add3A_50, %dma_start3A_65] : memref<16384x256xf32, #tpu.memory_space<hbm>> -> memref<128x256xf32, #tpu.memory_space<hbm>>
      tpu.enqueue_dma source(%arg9 : memref<128x256xf32, #tpu.memory_space<vmem>>) target(%dma_start3A_66 : memref<128x256xf32, #tpu.memory_space<hbm>>) target_semaphore(%run_scoped3A : memref<!tpu.dma_semaphore, #tpu.memory_space<semaphore_mem>>)
      %dma_wait3A_67 = arith.constant 0 : i32
      %dma_wait3A_68 = tpu.memref_slice %arg6[%add3A_50, %dma_wait3A_67] : memref<16384x256xf32, #tpu.memory_space<hbm>> -> memref<128x256xf32, #tpu.memory_space<hbm>>
      %dma_wait3A_69 = arith.constant 0 : i32
      %dma_wait3A_70 = tpu.memref_slice %arg6[%add3A_50, %dma_wait3A_69] : memref<16384x256xf32, #tpu.memory_space<hbm>> -> memref<128x256xf32, #tpu.memory_space<hbm>>
      tpu.wait_dma2 semaphore(%run_scoped3A : memref<!tpu.dma_semaphore, #tpu.memory_space<semaphore_mem>>) src(%arg9 : memref<128x256xf32, #tpu.memory_space<vmem>>) dst(%dma_wait3A_70 : memref<128x256xf32, #tpu.memory_space<hbm>>)
      tpu.yield
    }) : () -> ()
    return
  }
}

module attributes {stable_mosaic.version = 14 : i64} {
  func.func @_tc_body(%arg0: i32, %arg1: memref<512x256xf32, #tpu.memory_space<vmem>>, %arg2: memref<1024x256xf32, #tpu.memory_space<vmem>>, %arg3: memref<1024x256xf32, #tpu.memory_space<vmem>>, %arg4: memref<1x1x512xi32, #tpu.memory_space<vmem>>, %arg5: memref<1024x256xf32, #tpu.memory_space<vmem>>, %arg6: memref<1024x256xf32, #tpu.memory_space<vmem>>) attributes {dimension_semantics = [#tpu.dimension_semantics<arbitrary>], iteration_bounds = array<i64: 32>, scalar_prefetch = 0 : i64, scratch_operands = 1 : i64, tpu.core_type = #tpu.core_type<tc>, window_params = [{transform_indices = @transform_0, window_bounds = array<i64: 512, 256>}, {pipeline_mode = #tpu.pipeline_mode<synchronous>, transform_indices = @transform_1, window_bounds = array<i64: 1024, 256>}, {pipeline_mode = #tpu.pipeline_mode<synchronous>, transform_indices = @transform_2, window_bounds = array<i64: 1024, 256>}, {transform_indices = @transform_3, window_bounds = array<i64: 1, 1, 512>}, {pipeline_mode = #tpu.pipeline_mode<synchronous>, transform_indices = @transform_4, window_bounds = array<i64: 1024, 256>}]} {
    %eq3A = arith.constant 0 : i32
    %eq3A_0 = arith.cmpi eq, %arg0, %eq3A : i32
    %convert_element_type3A = arith.extui %eq3A_0 : i1 to i32
    %cond3A = arith.constant 0 : i32
    %cond3A_1 = arith.cmpi ne, %convert_element_type3A, %cond3A : i32
    scf.if %cond3A_1 {
      %get3A_21 = arith.constant 0 : index
      %get3A_22 = arith.constant 0 : index
      %get3A_23 = vector.load %arg3[%get3A_21, %get3A_22] : memref<1024x256xf32, #tpu.memory_space<vmem>>, vector<1024x256xf32>
      %mul3A_24 = arith.constant 1.000000e+00 : f32
      %mul3A_25 = vector.broadcast %mul3A_24 : f32 to vector<1024x256xf32>
      %mul3A_26 = arith.mulf %get3A_23, %mul3A_25 : vector<1024x256xf32>
      %exp3A = math.exp %mul3A_26 : vector<1024x256xf32>
      %swap3A_27 = arith.constant 0 : index
      %swap3A_28 = arith.constant 0 : index
      %swap3A_29 = vector.load %arg5[%swap3A_27, %swap3A_28] : memref<1024x256xf32, #tpu.memory_space<vmem>>, vector<1024x256xf32>
      tpu.vector_store %arg5[%swap3A_27, %swap3A_28], %exp3A {strides = array<i32>} : memref<1024x256xf32, #tpu.memory_space<vmem>>, vector<1024x256xf32>,
      %get3A_30 = arith.constant 0 : index
      %get3A_31 = arith.constant 0 : index
      %get3A_32 = vector.load %arg2[%get3A_30, %get3A_31] : memref<1024x256xf32, #tpu.memory_space<vmem>>, vector<1024x256xf32>
      %mul3A_33 = arith.constant 1.000000e+00 : f32
      %mul3A_34 = vector.broadcast %mul3A_33 : f32 to vector<1024x256xf32>
      %mul3A_35 = arith.mulf %get3A_32, %mul3A_34 : vector<1024x256xf32>
      %mul3A_36 = arith.mulf %mul3A_35, %mul3A_35 : vector<1024x256xf32>
      %reduce_sum3A_37 = arith.constant dense<0.000000e+00> : vector<1024xf32>
      %reduce_sum3A_38 = vector.multi_reduction <add>, %mul3A_36, %reduce_sum3A_37 [1] : vector<1024x256xf32> to vector<1024xf32>
      %broadcast_in_dim3A_39 = vector.shape_cast %reduce_sum3A_38 : vector<1024xf32> to vector<1024x1xf32>
      %sqrt3A_40 = math.sqrt %broadcast_in_dim3A_39 : vector<1024x1xf32>
      %max3A_41 = arith.constant 9.99999993E-9 : f32
      %max3A_42 = vector.broadcast %max3A_41 : f32 to vector<1024x1xf32>
      %max3A_43 = arith.maximumf %sqrt3A_40, %max3A_42 : vector<1024x1xf32>
      %div3A_44 = vector.broadcast %max3A_43 : vector<1024x1xf32> to vector<1024x256xf32>
      %div3A_45 = arith.divf %mul3A_35, %div3A_44 : vector<1024x256xf32>
      %swap3A_46 = arith.constant 0 : index
      %swap3A_47 = arith.constant 0 : index
      %swap3A_48 = vector.load %arg6[%swap3A_46, %swap3A_47] : memref<1024x256xf32, #tpu.memory_space<vmem>>, vector<1024x256xf32>
      tpu.vector_store %arg6[%swap3A_46, %swap3A_47], %div3A_45 {strides = array<i32>} : memref<1024x256xf32, #tpu.memory_space<vmem>>, vector<1024x256xf32>,
    } else {
    }
    %get3A = arith.constant 0 : index
    %get3A_2 = arith.constant 0 : index
    %get3A_3 = vector.load %arg1[%get3A, %get3A_2] : memref<512x256xf32, #tpu.memory_space<vmem>>, vector<512x256xf32>
    %mul3A = arith.mulf %get3A_3, %get3A_3 : vector<512x256xf32>
    %reduce_sum3A = arith.constant dense<0.000000e+00> : vector<512xf32>
    %reduce_sum3A_4 = vector.multi_reduction <add>, %mul3A, %reduce_sum3A [1] : vector<512x256xf32> to vector<512xf32>
    %broadcast_in_dim3A = vector.shape_cast %reduce_sum3A_4 : vector<512xf32> to vector<512x1xf32>
    %sqrt3A = math.sqrt %broadcast_in_dim3A : vector<512x1xf32>
    %max3A = arith.constant 9.99999993E-9 : f32
    %max3A_5 = vector.broadcast %max3A : f32 to vector<512x1xf32>
    %max3A_6 = arith.maximumf %sqrt3A, %max3A_5 : vector<512x1xf32>
    %div3A = vector.broadcast %max3A_6 : vector<512x1xf32> to vector<512x256xf32>
    %div3A_7 = arith.divf %get3A_3, %div3A : vector<512x256xf32>
    %get3A_8 = arith.constant 0 : index
    %get3A_9 = arith.constant 0 : index
    %get3A_10 = vector.load %arg6[%get3A_8, %get3A_9] : memref<1024x256xf32, #tpu.memory_space<vmem>>, vector<1024x256xf32>
    %dot_general3A = arith.constant dense<0.000000e+00> : vector<512x1024xf32>
    %dot_general3A_11 = tpu.matmul %div3A_7, %get3A_10, %dot_general3A {dimension_numbers = #tpu.dot_dimension_numbers<[1], [1], [0], [0], [0, 0, 1, 0], [], []>, transpose_lhs_hint = false} : vector<512x256xf32>, vector<1024x256xf32>, vector<512x1024xf32> -> vector<512x1024xf32>
    %reduce_max3A = arith.constant dense<0xFF800000> : vector<512xf32>
    %reduce_max3A_12 = vector.multi_reduction <maximumf>, %dot_general3A_11, %reduce_max3A [1] : vector<512x1024xf32> to vector<512xf32>
    %broadcast_in_dim3A_13 = vector.shape_cast %reduce_max3A_12 : vector<512xf32> to vector<512x1xf32>
    %iota3A = tpu.iota {dimensions = array<i32: 1>} : vector<512x1024xi32>
    %eq3A_14 = vector.broadcast %broadcast_in_dim3A_13 : vector<512x1xf32> to vector<512x1024xf32>
    %eq3A_15 = arith.cmpf oeq, %dot_general3A_11, %eq3A_14 : vector<512x1024xf32>
    %jit3A = arith.constant 1024 : i32
    %broadcast_in_dim3A_16 = vector.broadcast %jit3A : i32 to vector<512x1024xi32>
    %select_n3A = arith.select %eq3A_15, %iota3A, %broadcast_in_dim3A_16 : vector<512x1024xi1>, vector<512x1024xi32>
    %reduce_min3A = arith.constant dense<2147483647> : vector<512xi32>
    %reduce_min3A_17 = vector.multi_reduction <minsi>, %select_n3A, %reduce_min3A [1] : vector<512x1024xi32> to vector<512xi32>
    %reshape3A = vector.shape_cast %reduce_min3A_17 : vector<512xi32> to vector<1x1x512xi32>
    %swap3A = arith.constant 0 : index
    %swap3A_18 = arith.constant 0 : index
    %swap3A_19 = arith.constant 0 : index
    %swap3A_20 = vector.load %arg4[%swap3A, %swap3A_18, %swap3A_19] : memref<1x1x512xi32, #tpu.memory_space<vmem>>, vector<1x1x512xi32>
    tpu.vector_store %arg4[%swap3A, %swap3A_18, %swap3A_19], %reshape3A {strides = array<i32>} : memref<1x1x512xi32, #tpu.memory_space<vmem>>, vector<1x1x512xi32>,
    return
  }
  func.func @transform_0(%arg0: i32) -> (i32, i32) {
    %c0_i32 = arith.constant 0 : i32
    %c0_i32_0 = arith.constant 0 : i32
    return %arg0, %c0_i32 : i32, i32
  }
  func.func @transform_1(%arg0: i32) -> (i32, i32) {
    %c0_i32 = arith.constant 0 : i32
    %c0_i32_0 = arith.constant 0 : i32
    %c0_i32_1 = arith.constant 0 : i32
    return %c0_i32, %c0_i32_0 : i32, i32
  }
  func.func @transform_2(%arg0: i32) -> (i32, i32) {
    %c0_i32 = arith.constant 0 : i32
    %c0_i32_0 = arith.constant 0 : i32
    %c0_i32_1 = arith.constant 0 : i32
    return %c0_i32, %c0_i32_0 : i32, i32
  }
  func.func @transform_3(%arg0: i32) -> (i32, i32, i32) {
    %c0_i32 = arith.constant 0 : i32
    %c0_i32_0 = arith.constant 0 : i32
    %c0_i32_1 = arith.constant 0 : i32
    return %arg0, %c0_i32, %c0_i32_0 : i32, i32, i32
  }
  func.func @transform_4(%arg0: i32) -> (i32, i32) {
    %c0_i32 = arith.constant 0 : i32
    %c0_i32_0 = arith.constant 0 : i32
    %c0_i32_1 = arith.constant 0 : i32
    return %c0_i32, %c0_i32_0 : i32, i32
  }
}

</mosaic_0001>

<sc_bundles>
// kernel: sc_gather.3.cloned.1.call-start
scs
__scs_entry_jumppad:
0x0: {  	(pc) =	sbr.rel $0x88, $3  }
0x1: {  	(tag) =	ssettag $0x0;
	lr =	simm.s32 $0x1  }
0x2: {  	[smem:$0x3F9E] =	sst lr;
	_ =	strace $0xD0000000  }
0x3: {  	_ = 	snop  }
0x4: {  	_ = 	snop  }
0x5: {  	_ = 	snop  }
0x6: {  	_ = 	snop  }
0x7: {  	_ = 	snop  }
__scs_overlays_trampoline_lowered:
0x8: {  	[smem:$0x3FAD] =	sst s0  }
0x9: {  	[smem:$0x3FAE] =	sst s1  }
0xa: {  	[smem:$0x3FAF] =	sst s2  }
0xb: {  	[smem:$0x3FB0] =	sst s3  }
0xc: {  	[smem:$0x3FB1] =	sst s4  }
0xd: {  	[smem:$0x3FB2] =	sst s5  }
0xe: {  	[smem:$0x3FB3] =	sst s6  }
0xf: {  	[smem:$0x3FB4] =	sst s7  }
0x10: {  	[smem:$0x3FB5] =	sst s8  }
0x11: {  	[smem:$0x3FB6] =	sst s9;
	s0 =	simm.s32 @!p0 $0x0  }
0x12: {  	s1 =	sld [smem:$0x3F9C];
	s0 =	simm.s32 @p0 $0x1  }
0x13: {  	[smem:$0x3FB7] =	sst s0;
	s0 =	simm.s32 @!p1 $0x0  }
0x14: {  	s2 =	sld [smem:$0x3F9B];
	s0 =	simm.s32 @p1 $0x1  }
0x15: {  	[smem:$0x3FB8] =	sst s0;
	s0 =	simm.s32 @!p2 $0x0  }
0x16: {  	s3 =	sld [smem:$0x3FDB];
	s0 =	simm.s32 @p2 $0x1  }
0x17: {  	s4 =	simm.s32 $0x1BF5;
	[smem:$0x3FBA] =	sst s0  }
0x18: {  	s0 =	sld [smem:$0x3F9D];
	_ =	swait.ge [sflag:s4], $0x0  }
0x19: {  	s7 =	sld [smem:$0x3F9E]  }
0x1a: {  	s8 =	sadd.s32 $0xFFFFE003, lr  }
0x1b: {  	s9 =	sadd.s32 $0xFFFFFEF7, lr;
	s5 =	simm.s32 $0xFFFFFFFF;
	p2 =	slt.u32 s8, $0xFFFFF086  }
0x1c: {  	p1 =	slt.u32 s9, $0xF7A;
	s5 =	simm.s32 @!p2 $0x0  }
0x1d: {  	s5 =	simm.s32 @p1 $0x1;
	p0 =	seq.s32 s7, s2  }
0x1e: {  	s7 =	smul.u32 @!p0 $0xF7A, s2;
	p2 =	seq.s32 @!p0 s5, $0x0  }
0x1f: {  	s9 =	smul.u32 $0xF7A, s1;
	s8 =	simm.s32 @!p0 $0x1BF5;
	p2 =	por !p2, p0  }
0x20: {  	[sflag:s8] =	ssyncset.s32 @!p0 $0xFFFFF086;
	s6 =	sadd.s32 @!p0 s3, s7;
	s7 =	simm.s32 @!p0 $0x108  }
0x21: {  	s3 =	sadd.s32 s3, s9;
	s6 =	sadd.s32 @!p0 $0x88, s6;
	s7 =	simm.s32 @p2 $0x1082  }
0x22: {  	[simem:s7], [sflag:s8] =	dma.local @!p0 [hbm:s6], $0xF7A  }
0x23: {  	s9 =	sor.u32 $0xD0000000, s2;
	s6 =	simm.s32 $0x108;
	_ =	swait.ge @!p0 [sflag:s8], $0x0  }
0x24: {  	s3 =	sadd.s32 $0x88, s3;
	s6 =	simm.s32 @!p1 $0x1082;
	[sflag:s4] =	ssyncset.s32 $0xFFFFF086  }
0x25: {  	[simem:s6], [sflag:s4] =	dma.local [hbm:s3], $0xF7A  }
0x26: {  	[smem:$0x3F9E] =	sst s1;
	(tag) =	ssettag s2;
	_ =	strace s9  }
0x27: {  	s1 =	sld [smem:$0x3FAE]  }
0x28: {  	s2 =	sld [smem:$0x3FAF]  }
0x29: {  	s4 =	sld [smem:$0x3FB1]  }
0x2a: {  	p0 =	seq.s32 s5, $0x0;
	s5 =	sld [smem:$0x3FB2]  }
0x2b: {  	s6 =	sld [smem:$0x3FB3]  }
0x2c: {  	s7 =	sld [smem:$0x3FB4]  }
0x2d: {  	s3 =	simm.s32 $0x108;
	s8 =	sld [smem:$0x3FB5]  }
0x2e: {  	s3 =	simm.s32 @!p0 $0x1082;
	s9 =	sld [smem:$0x3FB6]  }
0x2f: {  	lr =	sadd.s32 s0, s3;
	s0 =	sld [smem:$0x3FAD]  }
0x30: {  	s3 =	sld [smem:$0x3FB0]  }
0x31: {  	[smem:$0x3FB9] =	sst s10  }
0x32: {  	s10 =	sld [smem:$0x3FB7];
	_ =	sdelay $0x3  }
0x33: {  	p0 =	seq.s32 s10, $0x1;
	s10 =	sld [smem:$0x3FB9];
	_ =	sdelay $0x3  }
0x34: {  	[smem:$0x3FB9] =	sst s10  }
0x35: {  	s10 =	sld [smem:$0x3FB8];
	_ =	sdelay $0x3  }
0x36: {  	p1 =	seq.s32 s10, $0x1;
	s10 =	sld [smem:$0x3FB9];
	_ =	sdelay $0x3  }
0x37: {  	[smem:$0x3FB9] =	sst s10  }
0x38: {  	s10 =	sld [smem:$0x3FBA]  }
0x39: {  	_ = 	snop;
	(pc) =	sbr.ind lr, $3  }
0x3a: {  	_ = 	snop  }
0x3b: {  	_ = 	snop  }
0x3c: {  	p2 =	seq.s32 s10, $0x1;
	s10 =	sld [smem:$0x3FB9]  }
0x3d: {  	_ =	shalt  }
0x3e: {  	_ =	shalt  }
0x3f: {  	_ =	shalt  }
0x40: {  	_ =	shalt  }
0x41: {  	_ =	shalt  }
0x42: {  	_ =	shalt  }
0x43: {  	_ =	shalt  }
0x44: {  	_ =	shalt  }
0x45: {  	_ =	shalt  }
0x46: {  	_ =	shalt  }
0x47: {  	_ =	shalt  }
0x48: {  	_ =	shalt  }
0x49: {  	_ =	shalt  }
0x4a: {  	_ =	shalt  }
0x4b: {  	_ =	shalt  }
0x4c: {  	_ =	shalt  }
0x4d: {  	_ =	shalt  }
0x4e: {  	_ =	shalt  }
0x4f: {  	_ =	shalt  }
0x50: {  	_ =	shalt  }
0x51: {  	_ =	shalt  }
0x52: {  	_ =	shalt  }
0x53: {  	_ =	shalt  }
0x54: {  	_ =	shalt  }
0x55: {  	_ =	shalt  }
0x56: {  	_ =	shalt  }
0x57: {  	_ =	shalt  }
0x58: {  	_ =	shalt  }
0x59: {  	_ =	shalt  }
0x5a: {  	_ =	shalt  }
0x5b: {  	_ =	shalt  }
0x5c: {  	_ =	shalt  }
0x5d: {  	_ =	shalt  }
0x5e: {  	_ =	shalt  }
0x5f: {  	_ =	shalt  }
0x60: {  	_ =	shalt  }
0x61: {  	_ =	shalt  }
0x62: {  	_ =	shalt  }
0x63: {  	_ =	shalt  }
0x64: {  	_ =	shalt  }
0x65: {  	_ =	shalt  }
0x66: {  	_ =	shalt  }
0x67: {  	_ =	shalt  }
0x68: {  	_ =	shalt  }
0x69: {  	_ =	shalt  }
0x6a: {  	_ =	shalt  }
0x6b: {  	_ =	shalt  }
0x6c: {  	_ =	shalt  }
0x6d: {  	_ =	shalt  }
0x6e: {  	_ =	shalt  }
0x6f: {  	_ =	shalt  }
0x70: {  	_ =	shalt  }
0x71: {  	_ =	shalt  }
0x72: {  	_ =	shalt  }
0x73: {  	_ =	shalt  }
0x74: {  	_ =	shalt  }
0x75: {  	_ =	shalt  }
0x76: {  	_ =	shalt  }
0x77: {  	_ =	shalt  }
0x78: {  	_ =	shalt  }
0x79: {  	_ =	shalt  }
0x7a: {  	_ =	shalt  }
0x7b: {  	_ =	shalt  }
0x7c: {  	_ =	shalt  }
0x7d: {  	_ =	shalt  }
0x7e: {  	_ =	shalt  }
0x7f: {  	_ =	shalt  }
0x80: {  	_ =	shalt  }
0x81: {  	_ =	shalt  }
0x82: {  	_ =	shalt  }
0x83: {  	_ =	shalt  }
0x84: {  	_ =	shalt  }
0x85: {  	_ =	shalt  }
0x86: {  	_ =	shalt  }
0x87: {  	_ =	shalt  }
.Lfunc_end0:
.L_simem_size_0:
called_computation_lowered:
.L_overlay_start_0:
0x88: {  	s2 =	sld [smem:$0x3FD9]  }
0x89: {  	s3 =	sld [smem:$0x3FFE];
	_ =	sdelay $0x1  }
0x8a: {  	s1 =	srdreg.scid  }
0x8b: {  	s0 =	sand.u32 $0x1, s1  }
0x8c: {  	s14 =	sshll.u32 s0, $0xA;
	s2 =	sadd.s32 s3, s2  }
0x8d: {  	s2 =	sadd.s32 s2, s14  }
0x8e: {  	[smem:$0x3FC5] =	sst s2  }
0x8f: {  	_ = 	snop  }
0x90: {  	s2 =	sld [smem:$0x3FD0];
	_ =	sdelay $0x2  }
0x91: {  	s4 =	simm.s32 $0xA;
	s5 =	simm.s32 $0x10;
	s15 =	sld [smem:$0x3FC8]  }
0x92: {  	[smem:s5], [sflag:s4] =	dma.local [hbm:s2], $0x1  }
0x93: {  	_ =	swait.eq [sflag:s4], $0x1  }
0x94: {  	s16 =	sld [smem:$0x10];
	[sflag:s4] =	ssyncset.done $0x0  }
0x95: {  	s17 =	sld [smem:$0x11];
	[sflag:s4] =	ssyncadd.s32 $0xFFFFFFFF  }
0x96: {  	s18 =	sld [smem:$0x12];
	(tm) =	ssettm $0x1  }
0x97: {  	s6 =	sld [smem:$0x3FFB];
	_ =	sdelay $0x3  }
0x98: {  	_ =	strace s6  }
0x99: {  	s6 =	sld [smem:$0x3FFC];
	_ =	sdelay $0x3  }
0x9a: {  	_ =	strace s6  }
0x9b: {  	s6 =	sld [smem:$0x3FFD];
	_ =	sdelay $0x3  }
0x9c: {  	_ =	strace s6  }
0x9d: {  	_ =	strace $0x8FFFFFFF  }
0x9e: {  	s19 =	sld [smem:$0x3FDB];
	_ =	sdelay $0x1  }
0x9f: {  	s7 =	simm.s32 $_scs_section_size  }
0xa0: {  	s8 =	simm.s32 $_size__tile_overlayer_lowered;
	s9 =	simm.s32 $_tile_overlayer_lowered  }
0xa1: {  	s22 =	simm.s32 $0x1BFF;
	s21 =	sshll.u32 s9, $0x1;
	s6 =	sadd.s32 s7, s19  }
0xa2: {  	s10 =	simm.s32 $0x0;
	s20 =	sshll.u32 s8, $0x1;
	s8 =	sadd.s32 s21, s6  }
0xa3: {  	[timem:s10], [sflag:s22] =	dma.local [hbm:s8], s20  }
0xa4: {  	_ =	swait.ge [sflag:s22], s20  }
0xa5: {  	s7 =	ssub.s32 $0x0, s20;
	[sflag:s22] =	ssyncset.done $0x0  }
0xa6: {  	[sflag:s22] =	ssyncadd.s32 s7;
	_ =	sdelay $0x1  }
0xa7: {  	s23 =	simm.s32 $0x1B8B  }
0xa8: {  	_ =	swait.ge [sflag:s23], $0x1  }
0xa9: {  	[sflag:s23] =	ssyncset.done $0x0  }
0xaa: {  	s25 =	simm.s32 $0x1B8E;
	s24 =	sld [smem:$0x3FFE];
	[sflag:s23] =	ssyncadd.s32 $0xFFFFFFFF  }
0xab: {  	s26 =	simm.s32 $execute0_lowered;
	[smem:$0x3FD2] =	sst s25  }
0xac: {  	s8 =	sshll.u32 s26, $0x1;
	_ =	strace $0x80000046;
	[dreg:$0x1] =	wrdreg $0xFFFFFFFF  }
0xad: {  	s28 =	simm.s32 $_size_execute0_lowered;
	s6 =	sadd.s32 s6, s8;
	[dreg:$0x0] =	wrdreg $0x0  }
0xae: {  	s8 =	sshll.u32 s28, $0x1;
	[dreg:$0x2] =	wrdreg s6  }
0xaf: {  	[dreg:$0x3] =	wrdreg s8  }
0xb0: {  	[dreg:$0x4] =	wrdreg $0xC0  }
0xb1: {  	_ =	task [dreg:s10], $0x5FFFF  }
0xb2: {  	[dreg:$0x1] =	wrdreg $0xFFFFFFFF  }
0xb3: {  	[dreg:$0x0] =	wrdreg $0x60  }
0xb4: {  	[dreg:$0x2] =	wrdreg s15  }
0xb5: {  	[dreg:$0x3] =	wrdreg s24  }
0xb6: {  	[dreg:$0x4] =	wrdreg s16  }
0xb7: {  	[dreg:$0x5] =	wrdreg s17  }
0xb8: {  	[dreg:$0x6] =	wrdreg s18  }
0xb9: {  	[dreg:$0x7] =	wrdreg $0x9  }
0xba: {  	_ =	task.clear_ibuf [dreg:s10], $0x8FFFF;
	_ =	strace $0x90000046  }
0xbb: {  	s29 =	simm.s32 $0x9;
	_ =	strace $0x80000048  }
0xbc: {  	_ =	swait.ge [sflag:s29], $0x1  }
0xbd: {  	[sflag:s29] =	ssyncadd.s32 $0xFFFFFFFF  }
0xbe: {  	_ =	strace $0x90000048  }
0xbf: {  	_ =	sfence  }
0xc0: {  	s30 =	sld [smem:$0x0];
	_ =	sdelay $0x2  }
0xc1: {  	s31 =	sshll.u32 s1, $0xD;
	s1 =	sshrl.u32 s1, $0x2  }
0xc2: {  	s3 =	sand.u32 $0x4000, s31;
	s1 =	sadd.s32 s1, s30  }
0xc3: {  	s0 =	sor.u32 s3, s0;
	s1 =	sshll.u32 s1, $0x11  }
0xc4: {  	s0 =	sor.u32 s1, s0  }
0xc5: {  	s0 =	sadd.s32 $0x8F2B, s0  }
0xc6: {  	[sflag:s0] =	ssyncadd.remote.s32 $0x1  }
0xc7: {  	_ =	sfence.sel $0xFFFF  }
0xc8: {  	[dreg:$0x0] =	wrdreg $0xFFFFFFFF;
	(pc) =	sbr.abs _section_cstart, $3  }
0xc9: {  	[dreg:$0x1] =	wrdreg $0xFFFFFFFF  }
0xca: {  	_ =	task.clear_ibuf [dreg:s10], $0x2FFFF;
	_ =	strace $0x9FFFFFFF  }
0xcb: {  	(tm) =	ssettm $0x7FFFFFFF  }
tec
execute0_lowered:
.L_overlay_start_1:
0x0: {  	(tag) =	ssettag $0x1  }
0x1: {  	s0 =	rddreg [dreg:$0x0]  }
0x2: {  	s1 =	rddreg [dreg:$0x1]  }
0x3: {  	s2 =	rddreg [dreg:$0x2]  }
0x4: {  	s3 =	srdreg.scid;
	s4 =	rddreg [dreg:$0x3]  }
0x5: {  	s7 =	stileid.u32;
	s6 =	rddreg [dreg:$0x4];
	s30 =	simm.s32 $0x80  }
0x6: {  	s5 =	sand.u32 $0x1, s3;
	s7 =	sshll.u32 s7, $0xA;
	s3 =	simm.s32 $0x0  }
0x7: {  	s8 =	sshll.u32 s5, $0x9;
	[smem:$0x7FF] =	sst s3;
	s5 =	ssub.s32 $0x2, s5  }
0x8: {  	s7 =	sor.u32 s8, s7;
	_ =	strace $0x80000047;
	s28 =	sshrl.u32 s5, $0x1  }
0x9: {  	s8 =	sshrl.u32 s7, $0x3;
	s9 =	sshll.u32 s7, $0x5;
	s10 =	sor.u32 $0x80, s7  }
0xa: {  	s18 =	sor.u32 $0x100, s7;
	s7 =	sor.u32 $0x180, s7;
	s8 =	sadd.s32 s2, s8  }
0xb: {  	s31 =	ssub.s32 s5, s28;
	s12 =	sadd.s32 s4, s9;
	[dreg:$0x6] =	wrdreg s8  }
0xc: {  	s13 =	sadd.s32 s6, s9;
	s14 =	sshrl.u32 s10, $0x3;
	[dreg:$0x7] =	wrdreg s12  }
0xd: {  	s16 =	sshll.u32 s10, $0x5;
	[dreg:$0x8] =	wrdreg s13;
	s15 =	sadd.s32 s2, s14  }
0xe: {  	s20 =	sshrl.u32 s18, $0x3;
	s17 =	sadd.s32 s4, s16;
	[dreg:$0x9] =	wrdreg s15  }
0xf: {  	s22 =	sshll.u32 s18, $0x5;
	s19 =	sadd.s32 s6, s16;
	[dreg:$0xa] =	wrdreg s17  }
0x10: {  	s25 =	sshrl.u32 s7, $0x3;
	s21 =	sadd.s32 s2, s20;
	[dreg:$0xb] =	wrdreg s19  }
0x11: {  	s7 =	sshll.u32 s7, $0x5;
	s23 =	sadd.s32 s4, s22;
	[dreg:$0xc] =	wrdreg s21  }
0x12: {  	s5 =	smax.u32 s31, $0x1;
	s24 =	sadd.s32 s6, s22;
	[dreg:$0xd] =	wrdreg s23  }
0x13: {  	s2 =	sadd.s32 s2, s25;
	s26 =	sadd.s32 s4, s7;
	[dreg:$0xe] =	wrdreg s24  }
0x14: {  	v2 =	vlaneseq.u32;
	s29 =	sadd.s32 s6, s7;
	s4 =	sadd.s32 $0x1200, s1;
	[dreg:$0xf] =	wrdreg s2  }
0x15: {  	vm0 =	vmmov $0xffff;
	v1 =	vshrl.u32 v2, $0x3;
	s6 =	simm.s32 $0x3;
	s14 =	simm.s32 $0x1;
	[dreg:$0x10] =	wrdreg s26  }
0x16: {  	v0 =	vand.u32 $0x7, v2;
	v2 =	vor.u32 $0x8, v2;
	v1 =	vmul.u32 $0x8, v1;
	[dreg:$0x11] =	wrdreg s29;
	s23 =	simm.s32 $0x8080;
	s15 =	simm.s32 $0x2  }
.LBB2_1:
0x17: {  	s16 =	rddreg [dreg:$0x6]  }
0x18: {  	[tilespmem:s3], [sflag:$0x3] =	stream.linear.gather [hbm4b:s16+s3], $0x80, $0x38;
	[tilespmem:$0x10080] =	vst v63  }
0x19: {  	_ =	swait.ge [sflag:s6], $0x80  }
0x1a: {  	[sflag:s6] =	ssyncset.done $0x0  }
0x1b: {  	[sflag:s6] =	ssyncadd.s32 $0xFFFFFF80  }
0x1c: {  	v3 =	vld [tilespmem:$0x0];
	_ =	sdelay $0x4  }
0x1d: {  	v4 =	vshll.u32 v3, $0x1  }
0x1e: {  	v3 =	vand.u32 $0x7, v3;
	v4 =	vand.u32 $0xFFFFFFF0, v4  }
0x1f: {  	v3 =	vor.u32 v3, v4  }
0x20: {  	v4 =	vperm.xlane v3, v0;
	_ =	sdelay $0x1  }
0x21: {  	v3 =	vperm.xlane v3, v2;
	v4 =	vadd.s32 v1, v4;
	_ =	sdelay $0x1  }
0x22: {  	v3 =	vadd.s32 v1, v3;
	_ =	sdelay $0x2  }
0x23: {  	[tilespmem:s30], [sflag:$0x1] =	stream.indirect_vreg.gather [hbm4b:s0+s3], $0x80, v4, vm0, $0xb8;
	[tilespmem:$0x10080] =	vst v63  }
0x24: {  	s1 =	simm.s32 $0x880  }
0x25: {  	[tilespmem:s1], [sflag:$0x1] =	stream.indirect_vreg.gather [hbm4b:s0+s3], $0x80, v3, vm0, $0xb8;
	[tilespmem:$0x10080] =	vst v63  }
0x26: {  	v3 =	vld [tilespmem:$0x10];
	_ =	sdelay $0x4  }
0x27: {  	v57 =	vshll.u32 v3, $0x1  }
0x28: {  	v3 =	vand.u32 $0x7, v3;
	v4 =	vand.u32 $0xFFFFFFF0, v57  }
0x29: {  	v3 =	vor.u32 v3, v4  }
0x2a: {  	v4 =	vperm.xlane v3, v0;
	_ =	sdelay $0x1  }
0x2b: {  	v3 =	vperm.xlane v3, v2;
	v4 =	vadd.s32 v1, v4;
	_ =	sdelay $0x1  }
0x2c: {  	v3 =	vadd.s32 v1, v3;
	_ =	sdelay $0x1  }
0x2d: {  	s9 =	simm.s32 $0x1080  }
0x2e: {  	[tilespmem:s9], [sflag:$0x1] =	stream.indirect_vreg.gather [hbm4b:s0+s3], $0x80, v4, vm0, $0xb8;
	[tilespmem:$0x10080] =	vst v63  }
0x2f: {  	s10 =	simm.s32 $0x1880  }
0x30: {  	[tilespmem:s10], [sflag:$0x1] =	stream.indirect_vreg.gather [hbm4b:s0+s3], $0x80, v3, vm0, $0xb8;
	[tilespmem:$0x10080] =	vst v63  }
0x31: {  	v3 =	vld [tilespmem:$0x20];
	_ =	sdelay $0x4  }
0x32: {  	v58 =	vshll.u32 v3, $0x1  }
0x33: {  	v3 =	vand.u32 $0x7, v3;
	v4 =	vand.u32 $0xFFFFFFF0, v58  }
0x34: {  	v3 =	vor.u32 v3, v4  }
0x35: {  	v4 =	vperm.xlane v3, v0;
	_ =	sdelay $0x1  }
0x36: {  	v3 =	vperm.xlane v3, v2;
	v4 =	vadd.s32 v1, v4;
	_ =	sdelay $0x1  }
0x37: {  	v3 =	vadd.s32 v1, v3;
	_ =	sdelay $0x1  }
0x38: {  	s11 =	simm.s32 $0x2080  }
0x39: {  	[tilespmem:s11], [sflag:$0x1] =	stream.indirect_vreg.gather [hbm4b:s0+s3], $0x80, v4, vm0, $0xb8;
	[tilespmem:$0x10080] =	vst v63  }
0x3a: {  	s12 =	simm.s32 $0x2880  }
0x3b: {  	[tilespmem:s12], [sflag:$0x1] =	stream.indirect_vreg.gather [hbm4b:s0+s3], $0x80, v3, vm0, $0xb8;
	[tilespmem:$0x10080] =	vst v63  }
0x3c: {  	v3 =	vld [tilespmem:$0x30];
	_ =	sdelay $0x4  }
0x3d: {  	v59 =	vshll.u32 v3, $0x1  }
0x3e: {  	v3 =	vand.u32 $0x7, v3;
	v4 =	vand.u32 $0xFFFFFFF0, v59  }
0x3f: {  	v3 =	vor.u32 v3, v4  }
0x40: {  	v4 =	vperm.xlane v3, v0;
	_ =	sdelay $0x1  }
0x41: {  	v3 =	vperm.xlane v3, v2;
	v4 =	vadd.s32 v1, v4;
	_ =	sdelay $0x1  }
0x42: {  	v3 =	vadd.s32 v1, v3;
	_ =	sdelay $0x1  }
0x43: {  	s13 =	simm.s32 $0x3080  }
0x44: {  	[tilespmem:s13], [sflag:$0x1] =	stream.indirect_vreg.gather [hbm4b:s0+s3], $0x80, v4, vm0, $0xb8;
	[tilespmem:$0x10080] =	vst v63  }
0x45: {  	s16 =	simm.s32 $0x3880  }
0x46: {  	[tilespmem:s16], [sflag:$0x1] =	stream.indirect_vreg.gather [hbm4b:s0+s3], $0x80, v3, vm0, $0xb8;
	[tilespmem:$0x10080] =	vst v63  }
0x47: {  	v3 =	vld [tilespmem:$0x40];
	_ =	sdelay $0x4  }
0x48: {  	v60 =	vshll.u32 v3, $0x1  }
0x49: {  	v3 =	vand.u32 $0x7, v3;
	v4 =	vand.u32 $0xFFFFFFF0, v60  }
0x4a: {  	v3 =	vor.u32 v3, v4  }
0x4b: {  	v4 =	vperm.xlane v3, v0;
	_ =	sdelay $0x1  }
0x4c: {  	v3 =	vperm.xlane v3, v2;
	v4 =	vadd.s32 v1, v4;
	_ =	sdelay $0x1  }
0x4d: {  	v3 =	vadd.s32 v1, v3;
	_ =	sdelay $0x1  }
0x4e: {  	s17 =	simm.s32 $0x4080  }
0x4f: {  	[tilespmem:s17], [sflag:$0x1] =	stream.indirect_vreg.gather [hbm4b:s0+s3], $0x80, v4, vm0, $0xb8;
	[tilespmem:$0x10080] =	vst v63  }
0x50: {  	s18 =	simm.s32 $0x4880  }
0x51: {  	[tilespmem:s18], [sflag:$0x1] =	stream.indirect_vreg.gather [hbm4b:s0+s3], $0x80, v3, vm0, $0xb8;
	[tilespmem:$0x10080] =	vst v63  }
0x52: {  	v3 =	vld [tilespmem:$0x50];
	_ =	sdelay $0x4  }
0x53: {  	v61 =	vshll.u32 v3, $0x1  }
0x54: {  	v3 =	vand.u32 $0x7, v3;
	v4 =	vand.u32 $0xFFFFFFF0, v61  }
0x55: {  	v3 =	vor.u32 v3, v4  }
0x56: {  	v4 =	vperm.xlane v3, v0;
	_ =	sdelay $0x1  }
0x57: {  	v3 =	vperm.xlane v3, v2;
	v4 =	vadd.s32 v1, v4;
	_ =	sdelay $0x1  }
0x58: {  	v3 =	vadd.s32 v1, v3;
	_ =	sdelay $0x1  }
0x59: {  	s19 =	simm.s32 $0x5080  }
0x5a: {  	[tilespmem:s19], [sflag:$0x1] =	stream.indirect_vreg.gather [hbm4b:s0+s3], $0x80, v4, vm0, $0xb8;
	[tilespmem:$0x10080] =	vst v63  }
0x5b: {  	s20 =	simm.s32 $0x5880  }
0x5c: {  	[tilespmem:s20], [sflag:$0x1] =	stream.indirect_vreg.gather [hbm4b:s0+s3], $0x80, v3, vm0, $0xb8;
	[tilespmem:$0x10080] =	vst v63  }
0x5d: {  	v3 =	vld [tilespmem:$0x60];
	_ =	sdelay $0x4  }
0x5e: {  	v62 =	vshll.u32 v3, $0x1  }
0x5f: {  	v3 =	vand.u32 $0x7, v3;
	v4 =	vand.u32 $0xFFFFFFF0, v62  }
0x60: {  	v3 =	vor.u32 v3, v4  }
0x61: {  	v4 =	vperm.xlane v3, v0;
	_ =	sdelay $0x1  }
0x62: {  	v3 =	vperm.xlane v3, v2;
	v4 =	vadd.s32 v1, v4;
	_ =	sdelay $0x1  }
0x63: {  	v3 =	vadd.s32 v1, v3;
	_ =	sdelay $0x1  }
0x64: {  	s21 =	simm.s32 $0x6080  }
0x65: {  	[tilespmem:s21], [sflag:$0x1] =	stream.indirect_vreg.gather [hbm4b:s0+s3], $0x80, v4, vm0, $0xb8;
	[tilespmem:$0x10080] =	vst v63  }
0x66: {  	s22 =	simm.s32 $0x6880  }
0x67: {  	[tilespmem:s22], [sflag:$0x1] =	stream.indirect_vreg.gather [hbm4b:s0+s3], $0x80, v3, vm0, $0xb8;
	[tilespmem:$0x10080] =	vst v63  }
0x68: {  	v3 =	vld [tilespmem:$0x70];
	_ =	sdelay $0x4  }
0x69: {  	v63 =	vshll.u32 v3, $0x1  }
0x6a: {  	v3 =	vand.u32 $0x7, v3;
	v4 =	vand.u32 $0xFFFFFFF0, v63  }
0x6b: {  	v3 =	vor.u32 v3, v4  }
0x6c: {  	v4 =	vperm.xlane v3, v0;
	_ =	sdelay $0x1  }
0x6d: {  	v3 =	vperm.xlane v3, v2;
	v4 =	vadd.s32 v1, v4;
	_ =	sdelay $0x1  }
0x6e: {  	v3 =	vadd.s32 v1, v3;
	_ =	sdelay $0x1  }
0x6f: {  	s24 =	simm.s32 $0x7080  }
0x70: {  	[tilespmem:s24], [sflag:$0x1] =	stream.indirect_vreg.gather [hbm4b:s0+s3], $0x80, v4, vm0, $0xb8;
	[tilespmem:$0x10080] =	vst v63  }
0x71: {  	s25 =	simm.s32 $0x7880  }
0x72: {  	[tilespmem:s25], [sflag:$0x1] =	stream.indirect_vreg.gather [hbm4b:s0+s3], $0x80, v3, vm0, $0xb8;
	[tilespmem:$0x10080] =	vst v63  }
0x73: {  	v3 =	vld [tilespmem:$0x0];
	_ =	sdelay $0x4  }
0x74: {  	v8 =	vshll.u32 v3, $0x1  }
0x75: {  	v3 =	vand.u32 $0x7, v3;
	v4 =	vand.u32 $0xFFFFFFF0, v8  }
0x76: {  	v3 =	vor.u32 v3, v4  }
0x77: {  	v4 =	vperm.xlane v3, v0;
	_ =	sdelay $0x1  }
0x78: {  	v3 =	vperm.xlane v3, v2;
	v4 =	vadd.s32 v1, v4;
	_ =	sdelay $0x1  }
0x79: {  	v3 =	vadd.s32 v1, v3;
	_ =	sdelay $0x2  }
0x7a: {  	[tilespmem:s23], [sflag:$0x2] =	stream.indirect_vreg.gather [hbm4b:s4+s3], $0x80, v4, vm0, $0xb8;
	[tilespmem:$0x10080] =	vst v63  }
0x7b: {  	s26 =	simm.s32 $0x8880  }
0x7c: {  	[tilespmem:s26], [sflag:$0x2] =	stream.indirect_vreg.gather [hbm4b:s4+s3], $0x80, v3, vm0, $0xb8;
	[tilespmem:$0x10080] =	vst v63  }
0x7d: {  	v3 =	vld [tilespmem:$0x10];
	_ =	sdelay $0x4  }
0x7e: {  	v9 =	vshll.u32 v3, $0x1  }
0x7f: {  	v3 =	vand.u32 $0x7, v3;
	v4 =	vand.u32 $0xFFFFFFF0, v9  }
0x80: {  	v3 =	vor.u32 v3, v4  }
0x81: {  	v4 =	vperm.xlane v3, v0;
	_ =	sdelay $0x1  }
0x82: {  	v3 =	vperm.xlane v3, v2;
	v4 =	vadd.s32 v1, v4;
	_ =	sdelay $0x1  }
0x83: {  	v3 =	vadd.s32 v1, v3;
	_ =	sdelay $0x1  }
0x84: {  	s28 =	simm.s32 $0x9080  }
0x85: {  	[tilespmem:s28], [sflag:$0x2] =	stream.indirect_vreg.gather [hbm4b:s4+s3], $0x80, v4, vm0, $0xb8;
	[tilespmem:$0x10080] =	vst v63  }
0x86: {  	s29 =	simm.s32 $0x9880  }
0x87: {  	[tilespmem:s29], [sflag:$0x2] =	stream.indirect_vreg.gather [hbm4b:s4+s3], $0x80, v3, vm0, $0xb8;
	[tilespmem:$0x10080] =	vst v63  }
0x88: {  	v3 =	vld [tilespmem:$0x20];
	_ =	sdelay $0x4  }
0x89: {  	v10 =	vshll.u32 v3, $0x1  }
0x8a: {  	v3 =	vand.u32 $0x7, v3;
	v4 =	vand.u32 $0xFFFFFFF0, v10  }
0x8b: {  	v3 =	vor.u32 v3, v4  }
0x8c: {  	v4 =	vperm.xlane v3, v0;
	_ =	sdelay $0x1  }
0x8d: {  	v3 =	vperm.xlane v3, v2;
	v4 =	vadd.s32 v1, v4;
	_ =	sdelay $0x1  }
0x8e: {  	v3 =	vadd.s32 v1, v3;
	_ =	sdelay $0x1  }
0x8f: {  	s31 =	simm.s32 $0xA080  }
0x90: {  	[tilespmem:s31], [sflag:$0x2] =	stream.indirect_vreg.gather [hbm4b:s4+s3], $0x80, v4, vm0, $0xb8;
	[tilespmem:$0x10080] =	vst v63  }
0x91: {  	s12 =	simm.s32 $0xA880  }
0x92: {  	[tilespmem:s12], [sflag:$0x2] =	stream.indirect_vreg.gather [hbm4b:s4+s3], $0x80, v3, vm0, $0xb8;
	[tilespmem:$0x10080] =	vst v63  }
0x93: {  	v3 =	vld [tilespmem:$0x30];
	_ =	sdelay $0x4  }
0x94: {  	v11 =	vshll.u32 v3, $0x1  }
0x95: {  	v3 =	vand.u32 $0x7, v3;
	v4 =	vand.u32 $0xFFFFFFF0, v11  }
0x96: {  	v3 =	vor.u32 v3, v4  }
0x97: {  	v4 =	vperm.xlane v3, v0;
	_ =	sdelay $0x1  }
0x98: {  	v3 =	vperm.xlane v3, v2;
	v4 =	vadd.s32 v1, v4;
	_ =	sdelay $0x1  }
0x99: {  	v3 =	vadd.s32 v1, v3;
	_ =	sdelay $0x1  }
0x9a: {  	s16 =	simm.s32 $0xB080  }
0x9b: {  	[tilespmem:s16], [sflag:$0x2] =	stream.indirect_vreg.gather [hbm4b:s4+s3], $0x80, v4, vm0, $0xb8;
	[tilespmem:$0x10080] =	vst v63  }
0x9c: {  	s17 =	simm.s32 $0xB880  }
0x9d: {  	[tilespmem:s17], [sflag:$0x2] =	stream.indirect_vreg.gather [hbm4b:s4+s3], $0x80, v3, vm0, $0xb8;
	[tilespmem:$0x10080] =	vst v63  }
0x9e: {  	v3 =	vld [tilespmem:$0x40];
	_ =	sdelay $0x4  }
0x9f: {  	v12 =	vshll.u32 v3, $0x1  }
0xa0: {  	v3 =	vand.u32 $0x7, v3;
	v4 =	vand.u32 $0xFFFFFFF0, v12  }
0xa1: {  	v3 =	vor.u32 v3, v4  }
0xa2: {  	v4 =	vperm.xlane v3, v0;
	_ =	sdelay $0x1  }
0xa3: {  	v3 =	vperm.xlane v3, v2;
	v4 =	vadd.s32 v1, v4;
	_ =	sdelay $0x1  }
0xa4: {  	v3 =	vadd.s32 v1, v3;
	_ =	sdelay $0x1  }
0xa5: {  	s18 =	simm.s32 $0xC080  }
0xa6: {  	[tilespmem:s18], [sflag:$0x2] =	stream.indirect_vreg.gather [hbm4b:s4+s3], $0x80, v4, vm0, $0xb8;
	[tilespmem:$0x10080] =	vst v63  }
0xa7: {  	s19 =	simm.s32 $0xC880  }
0xa8: {  	[tilespmem:s19], [sflag:$0x2] =	stream.indirect_vreg.gather [hbm4b:s4+s3], $0x80, v3, vm0, $0xb8;
	[tilespmem:$0x10080] =	vst v63  }
0xa9: {  	v3 =	vld [tilespmem:$0x50];
	_ =	sdelay $0x4  }
0xaa: {  	v13 =	vshll.u32 v3, $0x1  }
0xab: {  	v3 =	vand.u32 $0x7, v3;
	v4 =	vand.u32 $0xFFFFFFF0, v13  }
0xac: {  	v3 =	vor.u32 v3, v4  }
0xad: {  	v4 =	vperm.xlane v3, v0;
	_ =	sdelay $0x1  }
0xae: {  	v3 =	vperm.xlane v3, v2;
	v4 =	vadd.s32 v1, v4;
	_ =	sdelay $0x1  }
0xaf: {  	v3 =	vadd.s32 v1, v3;
	_ =	sdelay $0x1  }
0xb0: {  	s20 =	simm.s32 $0xD080  }
0xb1: {  	[tilespmem:s20], [sflag:$0x2] =	stream.indirect_vreg.gather [hbm4b:s4+s3], $0x80, v4, vm0, $0xb8;
	[tilespmem:$0x10080] =	vst v63  }
0xb2: {  	s21 =	simm.s32 $0xD880  }
0xb3: {  	[tilespmem:s21], [sflag:$0x2] =	stream.indirect_vreg.gather [hbm4b:s4+s3], $0x80, v3, vm0, $0xb8;
	[tilespmem:$0x10080] =	vst v63  }
0xb4: {  	v3 =	vld [tilespmem:$0x60];
	_ =	sdelay $0x4  }
0xb5: {  	v14 =	vshll.u32 v3, $0x1  }
0xb6: {  	v3 =	vand.u32 $0x7, v3;
	v4 =	vand.u32 $0xFFFFFFF0, v14  }
0xb7: {  	v3 =	vor.u32 v3, v4  }
0xb8: {  	v4 =	vperm.xlane v3, v0;
	_ =	sdelay $0x1  }
0xb9: {  	v3 =	vperm.xlane v3, v2;
	v4 =	vadd.s32 v1, v4;
	_ =	sdelay $0x1  }
0xba: {  	v3 =	vadd.s32 v1, v3;
	_ =	sdelay $0x1  }
0xbb: {  	s26 =	simm.s32 $0xE080  }
0xbc: {  	[tilespmem:s26], [sflag:$0x2] =	stream.indirect_vreg.gather [hbm4b:s4+s3], $0x80, v4, vm0, $0xb8;
	[tilespmem:$0x10080] =	vst v63  }
0xbd: {  	s29 =	simm.s32 $0xE880  }
0xbe: {  	[tilespmem:s29], [sflag:$0x2] =	stream.indirect_vreg.gather [hbm4b:s4+s3], $0x80, v3, vm0, $0xb8;
	[tilespmem:$0x10080] =	vst v63  }
0xbf: {  	v3 =	vld [tilespmem:$0x70];
	_ =	sdelay $0x4  }
0xc0: {  	v15 =	vshll.u32 v3, $0x1  }
0xc1: {  	v3 =	vand.u32 $0x7, v3;
	v4 =	vand.u32 $0xFFFFFFF0, v15  }
0xc2: {  	v3 =	vor.u32 v3, v4  }
0xc3: {  	v4 =	vperm.xlane v3, v0;
	_ =	sdelay $0x1  }
0xc4: {  	v3 =	vperm.xlane v3, v2;
	v4 =	vadd.s32 v1, v4;
	_ =	sdelay $0x1  }
0xc5: {  	v3 =	vadd.s32 v1, v3;
	_ =	sdelay $0x1  }
0xc6: {  	s31 =	simm.s32 $0xF080  }
0xc7: {  	[tilespmem:s31], [sflag:$0x2] =	stream.indirect_vreg.gather [hbm4b:s4+s3], $0x80, v4, vm0, $0xb8;
	[tilespmem:$0x10080] =	vst v63  }
0xc8: {  	s1 =	simm.s32 $0xF880  }
0xc9: {  	[tilespmem:s1], [sflag:$0x2] =	stream.indirect_vreg.gather [hbm4b:s4+s3], $0x80, v3, vm0, $0xb8;
	[tilespmem:$0x10080] =	vst v63  }
0xca: {  	_ =	swait.ge [sflag:s14], $0x8000  }
0xcb: {  	[sflag:s14] =	ssyncset.done $0x0  }
0xcc: {  	[sflag:s14] =	ssyncadd.s32 $0xFFFF8000  }
0xcd: {  	_ =	swait.ge [sflag:s15], $0x8000  }
0xce: {  	[sflag:s15] =	ssyncset.done $0x0  }
0xcf: {  	s12 =	rddreg [dreg:$0x7];
	[sflag:s15] =	ssyncadd.s32 $0xFFFF8000  }
0xd0: {  	[hbm4b:s12+s3] =	stream.linear.scatter [tilespmem:s30], [sflag:$0x3], $0x8000, $0x38;
	[tilespmem:$0x10080] =	vst v63  }
0xd1: {  	_ =	swait.ge [sflag:s6], $0x8000  }
0xd2: {  	[sflag:s6] =	ssyncset.done $0x0  }
0xd3: {  	s17 =	rddreg [dreg:$0x8];
	[sflag:s6] =	ssyncadd.s32 $0xFFFF8000  }
0xd4: {  	[hbm4b:s17+s3] =	stream.linear.scatter [tilespmem:s23], [sflag:$0x3], $0x8000, $0x38;
	[tilespmem:$0x10080] =	vst v63  }
0xd5: {  	_ =	swait.ge [sflag:s6], $0x8000  }
0xd6: {  	[sflag:s6] =	ssyncset.done $0x0  }
0xd7: {  	s21 =	rddreg [dreg:$0x9];
	[sflag:s6] =	ssyncadd.s32 $0xFFFF8000  }
0xd8: {  	[tilespmem:s3], [sflag:$0x3] =	stream.linear.gather [hbm4b:s21+s3], $0x80, $0x38;
	[tilespmem:$0x10080] =	vst v63  }
0xd9: {  	_ =	swait.ge [sflag:s6], $0x80  }
0xda: {  	[sflag:s6] =	ssyncset.done $0x0  }
0xdb: {  	[sflag:s6] =	ssyncadd.s32 $0xFFFFFF80  }
0xdc: {  	v3 =	vld [tilespmem:$0x0];
	_ =	sdelay $0x4  }
0xdd: {  	v16 =	vshll.u32 v3, $0x1  }
0xde: {  	v3 =	vand.u32 $0x7, v3;
	v4 =	vand.u32 $0xFFFFFFF0, v16  }
0xdf: {  	v3 =	vor.u32 v3, v4  }
0xe0: {  	v4 =	vperm.xlane v3, v0;
	_ =	sdelay $0x1  }
0xe1: {  	v3 =	vperm.xlane v3, v2;
	v4 =	vadd.s32 v1, v4;
	_ =	sdelay $0x1  }
0xe2: {  	v3 =	vadd.s32 v1, v3;
	_ =	sdelay $0x2  }
0xe3: {  	[tilespmem:s30], [sflag:$0x1] =	stream.indirect_vreg.gather [hbm4b:s0+s3], $0x80, v4, vm0, $0xb8;
	[tilespmem:$0x10080] =	vst v63  }
0xe4: {  	s7 =	simm.s32 $0x880  }
0xe5: {  	[tilespmem:s7], [sflag:$0x1] =	stream.indirect_vreg.gather [hbm4b:s0+s3], $0x80, v3, vm0, $0xb8;
	[tilespmem:$0x10080] =	vst v63  }
0xe6: {  	v3 =	vld [tilespmem:$0x10];
	_ =	sdelay $0x4  }
0xe7: {  	v17 =	vshll.u32 v3, $0x1  }
0xe8: {  	v3 =	vand.u32 $0x7, v3;
	v4 =	vand.u32 $0xFFFFFFF0, v17  }
0xe9: {  	v3 =	vor.u32 v3, v4  }
0xea: {  	v4 =	vperm.xlane v3, v0;
	_ =	sdelay $0x1  }
0xeb: {  	v3 =	vperm.xlane v3, v2;
	v4 =	vadd.s32 v1, v4;
	_ =	sdelay $0x1  }
0xec: {  	v3 =	vadd.s32 v1, v3;
	_ =	sdelay $0x1  }
0xed: {  	s2 =	simm.s32 $0x1080  }
0xee: {  	[tilespmem:s2], [sflag:$0x1] =	stream.indirect_vreg.gather [hbm4b:s0+s3], $0x80, v4, vm0, $0xb8;
	[tilespmem:$0x10080] =	vst v63  }
0xef: {  	s8 =	simm.s32 $0x1880  }
0xf0: {  	[tilespmem:s8], [sflag:$0x1] =	stream.indirect_vreg.gather [hbm4b:s0+s3], $0x80, v3, vm0, $0xb8;
	[tilespmem:$0x10080] =	vst v63  }
0xf1: {  	v3 =	vld [tilespmem:$0x20];
	_ =	sdelay $0x4  }
0xf2: {  	v18 =	vshll.u32 v3, $0x1  }
0xf3: {  	v3 =	vand.u32 $0x7, v3;
	v4 =	vand.u32 $0xFFFFFFF0, v18  }
0xf4: {  	v3 =	vor.u32 v3, v4  }
0xf5: {  	v4 =	vperm.xlane v3, v0;
	_ =	sdelay $0x1  }
0xf6: {  	v3 =	vperm.xlane v3, v2;
	v4 =	vadd.s32 v1, v4;
	_ =	sdelay $0x1  }
0xf7: {  	v3 =	vadd.s32 v1, v3;
	_ =	sdelay $0x1  }
0xf8: {  	s7 =	simm.s32 $0x2080  }
0xf9: {  	[tilespmem:s7], [sflag:$0x1] =	stream.indirect_vreg.gather [hbm4b:s0+s3], $0x80, v4, vm0, $0xb8;
	[tilespmem:$0x10080] =	vst v63  }
0xfa: {  	s11 =	simm.s32 $0x2880  }
0xfb: {  	[tilespmem:s11], [sflag:$0x1] =	stream.indirect_vreg.gather [hbm4b:s0+s3], $0x80, v3, vm0, $0xb8;
	[tilespmem:$0x10080] =	vst v63  }
0xfc: {  	v3 =	vld [tilespmem:$0x30];
	_ =	sdelay $0x4  }
0xfd: {  	v19 =	vshll.u32 v3, $0x1  }
0xfe: {  	v3 =	vand.u32 $0x7, v3;
	v4 =	vand.u32 $0xFFFFFFF0, v19  }
0xff: {  	v3 =	vor.u32 v3, v4  }
0x100: {  	v4 =	vperm.xlane v3, v0;
	_ =	sdelay $0x1  }
0x101: {  	v3 =	vperm.xlane v3, v2;
	v4 =	vadd.s32 v1, v4;
	_ =	sdelay $0x1  }
0x102: {  	v3 =	vadd.s32 v1, v3;
	_ =	sdelay $0x1  }
0x103: {  	s8 =	simm.s32 $0x3080  }
0x104: {  	[tilespmem:s8], [sflag:$0x1] =	stream.indirect_vreg.gather [hbm4b:s0+s3], $0x80, v4, vm0, $0xb8;
	[tilespmem:$0x10080] =	vst v63  }
0x105: {  	s12 =	simm.s32 $0x3880  }
0x106: {  	[tilespmem:s12], [sflag:$0x1] =	stream.indirect_vreg.gather [hbm4b:s0+s3], $0x80, v3, vm0, $0xb8;
	[tilespmem:$0x10080] =	vst v63  }
0x107: {  	v3 =	vld [tilespmem:$0x40];
	_ =	sdelay $0x4  }
0x108: {  	v20 =	vshll.u32 v3, $0x1  }
0x109: {  	v3 =	vand.u32 $0x7, v3;
	v4 =	vand.u32 $0xFFFFFFF0, v20  }
0x10a: {  	v3 =	vor.u32 v3, v4  }
0x10b: {  	v4 =	vperm.xlane v3, v0;
	_ =	sdelay $0x1  }
0x10c: {  	v3 =	vperm.xlane v3, v2;
	v4 =	vadd.s32 v1, v4;
	_ =	sdelay $0x1  }
0x10d: {  	v3 =	vadd.s32 v1, v3;
	_ =	sdelay $0x1  }
0x10e: {  	s9 =	simm.s32 $0x4080  }
0x10f: {  	[tilespmem:s9], [sflag:$0x1] =	stream.indirect_vreg.gather [hbm4b:s0+s3], $0x80, v4, vm0, $0xb8;
	[tilespmem:$0x10080] =	vst v63  }
0x110: {  	s21 =	simm.s32 $0x4880  }
0x111: {  	[tilespmem:s21], [sflag:$0x1] =	stream.indirect_vreg.gather [hbm4b:s0+s3], $0x80, v3, vm0, $0xb8;
	[tilespmem:$0x10080] =	vst v63  }
0x112: {  	v3 =	vld [tilespmem:$0x50];
	_ =	sdelay $0x4  }
0x113: {  	v21 =	vshll.u32 v3, $0x1  }
0x114: {  	v3 =	vand.u32 $0x7, v3;
	v4 =	vand.u32 $0xFFFFFFF0, v21  }
0x115: {  	v3 =	vor.u32 v3, v4  }
0x116: {  	v4 =	vperm.xlane v3, v0;
	_ =	sdelay $0x1  }
0x117: {  	v3 =	vperm.xlane v3, v2;
	v4 =	vadd.s32 v1, v4;
	_ =	sdelay $0x1  }
0x118: {  	v3 =	vadd.s32 v1, v3;
	_ =	sdelay $0x1  }
0x119: {  	s10 =	simm.s32 $0x5080  }
0x11a: {  	[tilespmem:s10], [sflag:$0x1] =	stream.indirect_vreg.gather [hbm4b:s0+s3], $0x80, v4, vm0, $0xb8;
	[tilespmem:$0x10080] =	vst v63  }
0x11b: {  	s13 =	simm.s32 $0x5880  }
0x11c: {  	[tilespmem:s13], [sflag:$0x1] =	stream.indirect_vreg.gather [hbm4b:s0+s3], $0x80, v3, vm0, $0xb8;
	[tilespmem:$0x10080] =	vst v63  }
0x11d: {  	v3 =	vld [tilespmem:$0x60];
	_ =	sdelay $0x4  }
0x11e: {  	v22 =	vshll.u32 v3, $0x1  }
0x11f: {  	v3 =	vand.u32 $0x7, v3;
	v4 =	vand.u32 $0xFFFFFFF0, v22  }
0x120: {  	v3 =	vor.u32 v3, v4  }
0x121: {  	v4 =	vperm.xlane v3, v0;
	_ =	sdelay $0x1  }
0x122: {  	v3 =	vperm.xlane v3, v2;
	v4 =	vadd.s32 v1, v4;
	_ =	sdelay $0x1  }
0x123: {  	v3 =	vadd.s32 v1, v3;
	_ =	sdelay $0x1  }
0x124: {  	s13 =	simm.s32 $0x6080  }
0x125: {  	[tilespmem:s13], [sflag:$0x1] =	stream.indirect_vreg.gather [hbm4b:s0+s3], $0x80, v4, vm0, $0xb8;
	[tilespmem:$0x10080] =	vst v63  }
0x126: {  	s17 =	simm.s32 $0x6880  }
0x127: {  	[tilespmem:s17], [sflag:$0x1] =	stream.indirect_vreg.gather [hbm4b:s0+s3], $0x80, v3, vm0, $0xb8;
	[tilespmem:$0x10080] =	vst v63  }
0x128: {  	v3 =	vld [tilespmem:$0x70];
	_ =	sdelay $0x4  }
0x129: {  	v23 =	vshll.u32 v3, $0x1  }
0x12a: {  	v3 =	vand.u32 $0x7, v3;
	v4 =	vand.u32 $0xFFFFFFF0, v23  }
0x12b: {  	v3 =	vor.u32 v3, v4  }
0x12c: {  	v4 =	vperm.xlane v3, v0;
	_ =	sdelay $0x1  }
0x12d: {  	v3 =	vperm.xlane v3, v2;
	v4 =	vadd.s32 v1, v4;
	_ =	sdelay $0x1  }
0x12e: {  	v3 =	vadd.s32 v1, v3;
	_ =	sdelay $0x1  }
0x12f: {  	s1 =	simm.s32 $0x7080  }
0x130: {  	[tilespmem:s1], [sflag:$0x1] =	stream.indirect_vreg.gather [hbm4b:s0+s3], $0x80, v4, vm0, $0xb8;
	[tilespmem:$0x10080] =	vst v63  }
0x131: {  	s9 =	simm.s32 $0x7880  }
0x132: {  	[tilespmem:s9], [sflag:$0x1] =	stream.indirect_vreg.gather [hbm4b:s0+s3], $0x80, v3, vm0, $0xb8;
	[tilespmem:$0x10080] =	vst v63  }
0x133: {  	v3 =	vld [tilespmem:$0x0];
	_ =	sdelay $0x4  }
0x134: {  	v24 =	vshll.u32 v3, $0x1  }
0x135: {  	v3 =	vand.u32 $0x7, v3;
	v4 =	vand.u32 $0xFFFFFFF0, v24  }
0x136: {  	v3 =	vor.u32 v3, v4  }
0x137: {  	v4 =	vperm.xlane v3, v0;
	_ =	sdelay $0x1  }
0x138: {  	v3 =	vperm.xlane v3, v2;
	v4 =	vadd.s32 v1, v4;
	_ =	sdelay $0x1  }
0x139: {  	v3 =	vadd.s32 v1, v3;
	_ =	sdelay $0x2  }
0x13a: {  	[tilespmem:s23], [sflag:$0x2] =	stream.indirect_vreg.gather [hbm4b:s4+s3], $0x80, v4, vm0, $0xb8;
	[tilespmem:$0x10080] =	vst v63  }
0x13b: {  	s10 =	simm.s32 $0x8880  }
0x13c: {  	[tilespmem:s10], [sflag:$0x2] =	stream.indirect_vreg.gather [hbm4b:s4+s3], $0x80, v3, vm0, $0xb8;
	[tilespmem:$0x10080] =	vst v63  }
0x13d: {  	v3 =	vld [tilespmem:$0x10];
	_ =	sdelay $0x4  }
0x13e: {  	v25 =	vshll.u32 v3, $0x1  }
0x13f: {  	v3 =	vand.u32 $0x7, v3;
	v4 =	vand.u32 $0xFFFFFFF0, v25  }
0x140: {  	v3 =	vor.u32 v3, v4  }
0x141: {  	v4 =	vperm.xlane v3, v0;
	_ =	sdelay $0x1  }
0x142: {  	v3 =	vperm.xlane v3, v2;
	v4 =	vadd.s32 v1, v4;
	_ =	sdelay $0x1  }
0x143: {  	v3 =	vadd.s32 v1, v3;
	_ =	sdelay $0x1  }
0x144: {  	s2 =	simm.s32 $0x9080  }
0x145: {  	[tilespmem:s2], [sflag:$0x2] =	stream.indirect_vreg.gather [hbm4b:s4+s3], $0x80, v4, vm0, $0xb8;
	[tilespmem:$0x10080] =	vst v63  }
0x146: {  	s11 =	simm.s32 $0x9880  }
0x147: {  	[tilespmem:s11], [sflag:$0x2] =	stream.indirect_vreg.gather [hbm4b:s4+s3], $0x80, v3, vm0, $0xb8;
	[tilespmem:$0x10080] =	vst v63  }
0x148: {  	v3 =	vld [tilespmem:$0x20];
	_ =	sdelay $0x4  }
0x149: {  	v26 =	vshll.u32 v3, $0x1  }
0x14a: {  	v3 =	vand.u32 $0x7, v3;
	v4 =	vand.u32 $0xFFFFFFF0, v26  }
0x14b: {  	v3 =	vor.u32 v3, v4  }
0x14c: {  	v4 =	vperm.xlane v3, v0;
	_ =	sdelay $0x1  }
0x14d: {  	v3 =	vperm.xlane v3, v2;
	v4 =	vadd.s32 v1, v4;
	_ =	sdelay $0x1  }
0x14e: {  	v3 =	vadd.s32 v1, v3;
	_ =	sdelay $0x1  }
0x14f: {  	s22 =	simm.s32 $0xA080  }
0x150: {  	[tilespmem:s22], [sflag:$0x2] =	stream.indirect_vreg.gather [hbm4b:s4+s3], $0x80, v4, vm0, $0xb8;
	[tilespmem:$0x10080] =	vst v63  }
0x151: {  	s22 =	simm.s32 $0xA880  }
0x152: {  	[tilespmem:s22], [sflag:$0x2] =	stream.indirect_vreg.gather [hbm4b:s4+s3], $0x80, v3, vm0, $0xb8;
	[tilespmem:$0x10080] =	vst v63  }
0x153: {  	v3 =	vld [tilespmem:$0x30];
	_ =	sdelay $0x4  }
0x154: {  	v27 =	vshll.u32 v3, $0x1  }
0x155: {  	v3 =	vand.u32 $0x7, v3;
	v4 =	vand.u32 $0xFFFFFFF0, v27  }
0x156: {  	v3 =	vor.u32 v3, v4  }
0x157: {  	v4 =	vperm.xlane v3, v0;
	_ =	sdelay $0x1  }
0x158: {  	v3 =	vperm.xlane v3, v2;
	v4 =	vadd.s32 v1, v4;
	_ =	sdelay $0x1  }
0x159: {  	v3 =	vadd.s32 v1, v3;
	_ =	sdelay $0x1  }
0x15a: {  	s28 =	simm.s32 $0xB080  }
0x15b: {  	[tilespmem:s28], [sflag:$0x2] =	stream.indirect_vreg.gather [hbm4b:s4+s3], $0x80, v4, vm0, $0xb8;
	[tilespmem:$0x10080] =	vst v63  }
0x15c: {  	s24 =	simm.s32 $0xB880  }
0x15d: {  	[tilespmem:s24], [sflag:$0x2] =	stream.indirect_vreg.gather [hbm4b:s4+s3], $0x80, v3, vm0, $0xb8;
	[tilespmem:$0x10080] =	vst v63  }
0x15e: {  	v3 =	vld [tilespmem:$0x40];
	_ =	sdelay $0x4  }
0x15f: {  	v28 =	vshll.u32 v3, $0x1  }
0x160: {  	v3 =	vand.u32 $0x7, v3;
	v4 =	vand.u32 $0xFFFFFFF0, v28  }
0x161: {  	v3 =	vor.u32 v3, v4  }
0x162: {  	v4 =	vperm.xlane v3, v0;
	_ =	sdelay $0x1  }
0x163: {  	v3 =	vperm.xlane v3, v2;
	v4 =	vadd.s32 v1, v4;
	_ =	sdelay $0x1  }
0x164: {  	v3 =	vadd.s32 v1, v3;
	_ =	sdelay $0x1  }
0x165: {  	s24 =	simm.s32 $0xC080  }
0x166: {  	[tilespmem:s24], [sflag:$0x2] =	stream.indirect_vreg.gather [hbm4b:s4+s3], $0x80, v4, vm0, $0xb8;
	[tilespmem:$0x10080] =	vst v63  }
0x167: {  	s25 =	simm.s32 $0xC880  }
0x168: {  	[tilespmem:s25], [sflag:$0x2] =	stream.indirect_vreg.gather [hbm4b:s4+s3], $0x80, v3, vm0, $0xb8;
	[tilespmem:$0x10080] =	vst v63  }
0x169: {  	v3 =	vld [tilespmem:$0x50];
	_ =	sdelay $0x4  }
0x16a: {  	v29 =	vshll.u32 v3, $0x1  }
0x16b: {  	v3 =	vand.u32 $0x7, v3;
	v4 =	vand.u32 $0xFFFFFFF0, v29  }
0x16c: {  	v3 =	vor.u32 v3, v4  }
0x16d: {  	v4 =	vperm.xlane v3, v0;
	_ =	sdelay $0x1  }
0x16e: {  	v3 =	vperm.xlane v3, v2;
	v4 =	vadd.s32 v1, v4;
	_ =	sdelay $0x1  }
0x16f: {  	v3 =	vadd.s32 v1, v3;
	_ =	sdelay $0x1  }
0x170: {  	s25 =	simm.s32 $0xD080  }
0x171: {  	[tilespmem:s25], [sflag:$0x2] =	stream.indirect_vreg.gather [hbm4b:s4+s3], $0x80, v4, vm0, $0xb8;
	[tilespmem:$0x10080] =	vst v63  }
0x172: {  	s18 =	simm.s32 $0xD880  }
0x173: {  	[tilespmem:s18], [sflag:$0x2] =	stream.indirect_vreg.gather [hbm4b:s4+s3], $0x80, v3, vm0, $0xb8;
	[tilespmem:$0x10080] =	vst v63  }
0x174: {  	v3 =	vld [tilespmem:$0x60];
	_ =	sdelay $0x4  }
0x175: {  	v30 =	vshll.u32 v3, $0x1  }
0x176: {  	v3 =	vand.u32 $0x7, v3;
	v4 =	vand.u32 $0xFFFFFFF0, v30  }
0x177: {  	v3 =	vor.u32 v3, v4  }
0x178: {  	v4 =	vperm.xlane v3, v0;
	_ =	sdelay $0x1  }
0x179: {  	v3 =	vperm.xlane v3, v2;
	v4 =	vadd.s32 v1, v4;
	_ =	sdelay $0x1  }
0x17a: {  	v3 =	vadd.s32 v1, v3;
	_ =	sdelay $0x1  }
0x17b: {  	s18 =	simm.s32 $0xE080  }
0x17c: {  	[tilespmem:s18], [sflag:$0x2] =	stream.indirect_vreg.gather [hbm4b:s4+s3], $0x80, v4, vm0, $0xb8;
	[tilespmem:$0x10080] =	vst v63  }
0x17d: {  	s19 =	simm.s32 $0xE880  }
0x17e: {  	[tilespmem:s19], [sflag:$0x2] =	stream.indirect_vreg.gather [hbm4b:s4+s3], $0x80, v3, vm0, $0xb8;
	[tilespmem:$0x10080] =	vst v63  }
0x17f: {  	v3 =	vld [tilespmem:$0x70];
	_ =	sdelay $0x4  }
0x180: {  	v31 =	vshll.u32 v3, $0x1  }
0x181: {  	v3 =	vand.u32 $0x7, v3;
	v4 =	vand.u32 $0xFFFFFFF0, v31  }
0x182: {  	v3 =	vor.u32 v3, v4  }
0x183: {  	v4 =	vperm.xlane v3, v0;
	_ =	sdelay $0x1  }
0x184: {  	v3 =	vperm.xlane v3, v2;
	v4 =	vadd.s32 v1, v4;
	_ =	sdelay $0x1  }
0x185: {  	v3 =	vadd.s32 v1, v3;
	_ =	sdelay $0x1  }
0x186: {  	s19 =	simm.s32 $0xF080  }
0x187: {  	[tilespmem:s19], [sflag:$0x2] =	stream.indirect_vreg.gather [hbm4b:s4+s3], $0x80, v4, vm0, $0xb8;
	[tilespmem:$0x10080] =	vst v63  }
0x188: {  	s20 =	simm.s32 $0xF880  }
0x189: {  	[tilespmem:s20], [sflag:$0x2] =	stream.indirect_vreg.gather [hbm4b:s4+s3], $0x80, v3, vm0, $0xb8;
	[tilespmem:$0x10080] =	vst v63  }
0x18a: {  	_ =	swait.ge [sflag:s14], $0x8000  }
0x18b: {  	[sflag:s14] =	ssyncset.done $0x0  }
0x18c: {  	[sflag:s14] =	ssyncadd.s32 $0xFFFF8000  }
0x18d: {  	_ =	swait.ge [sflag:s15], $0x8000  }
0x18e: {  	[sflag:s15] =	ssyncset.done $0x0  }
0x18f: {  	s18 =	rddreg [dreg:$0xa];
	[sflag:s15] =	ssyncadd.s32 $0xFFFF8000  }
0x190: {  	[hbm4b:s18+s3] =	stream.linear.scatter [tilespmem:s30], [sflag:$0x3], $0x8000, $0x38;
	[tilespmem:$0x10080] =	vst v63  }
0x191: {  	_ =	swait.ge [sflag:s6], $0x8000  }
0x192: {  	[sflag:s6] =	ssyncset.done $0x0  }
0x193: {  	s20 =	rddreg [dreg:$0xb];
	[sflag:s6] =	ssyncadd.s32 $0xFFFF8000  }
0x194: {  	[hbm4b:s20+s3] =	stream.linear.scatter [tilespmem:s23], [sflag:$0x3], $0x8000, $0x38;
	[tilespmem:$0x10080] =	vst v63  }
0x195: {  	_ =	swait.ge [sflag:s6], $0x8000  }
0x196: {  	[sflag:s6] =	ssyncset.done $0x0  }
0x197: {  	s18 =	rddreg [dreg:$0xc];
	[sflag:s6] =	ssyncadd.s32 $0xFFFF8000  }
0x198: {  	[tilespmem:s3], [sflag:$0x3] =	stream.linear.gather [hbm4b:s18+s3], $0x80, $0x38;
	[tilespmem:$0x10080] =	vst v63  }
0x199: {  	_ =	swait.ge [sflag:s6], $0x80  }
0x19a: {  	[sflag:s6] =	ssyncset.done $0x0  }
0x19b: {  	[sflag:s6] =	ssyncadd.s32 $0xFFFFFF80  }
0x19c: {  	v3 =	vld [tilespmem:$0x0];
	_ =	sdelay $0x4  }
0x19d: {  	v32 =	vshll.u32 v3, $0x1  }
0x19e: {  	v3 =	vand.u32 $0x7, v3;
	v4 =	vand.u32 $0xFFFFFFF0, v32  }
0x19f: {  	v3 =	vor.u32 v3, v4  }
0x1a0: {  	v4 =	vperm.xlane v3, v0;
	_ =	sdelay $0x1  }
0x1a1: {  	v3 =	vperm.xlane v3, v2;
	v4 =	vadd.s32 v1, v4;
	_ =	sdelay $0x1  }
0x1a2: {  	v3 =	vadd.s32 v1, v3;
	_ =	sdelay $0x2  }
0x1a3: {  	[tilespmem:s30], [sflag:$0x1] =	stream.indirect_vreg.gather [hbm4b:s0+s3], $0x80, v4, vm0, $0xb8;
	[tilespmem:$0x10080] =	vst v63  }
0x1a4: {  	s20 =	simm.s32 $0x880  }
0x1a5: {  	[tilespmem:s20], [sflag:$0x1] =	stream.indirect_vreg.gather [hbm4b:s0+s3], $0x80, v3, vm0, $0xb8;
	[tilespmem:$0x10080] =	vst v63  }
0x1a6: {  	v3 =	vld [tilespmem:$0x10];
	_ =	sdelay $0x4  }
0x1a7: {  	v33 =	vshll.u32 v3, $0x1  }
0x1a8: {  	v3 =	vand.u32 $0x7, v3;
	v4 =	vand.u32 $0xFFFFFFF0, v33  }
0x1a9: {  	v3 =	vor.u32 v3, v4  }
0x1aa: {  	v4 =	vperm.xlane v3, v0;
	_ =	sdelay $0x1  }
0x1ab: {  	v3 =	vperm.xlane v3, v2;
	v4 =	vadd.s32 v1, v4;
	_ =	sdelay $0x1  }
0x1ac: {  	v3 =	vadd.s32 v1, v3;
	_ =	sdelay $0x1  }
0x1ad: {  	s31 =	simm.s32 $0x1080  }
0x1ae: {  	[tilespmem:s31], [sflag:$0x1] =	stream.indirect_vreg.gather [hbm4b:s0+s3], $0x80, v4, vm0, $0xb8;
	[tilespmem:$0x10080] =	vst v63  }
0x1af: {  	s18 =	simm.s32 $0x1880  }
0x1b0: {  	[tilespmem:s18], [sflag:$0x1] =	stream.indirect_vreg.gather [hbm4b:s0+s3], $0x80, v3, vm0, $0xb8;
	[tilespmem:$0x10080] =	vst v63  }
0x1b1: {  	v3 =	vld [tilespmem:$0x20];
	_ =	sdelay $0x4  }
0x1b2: {  	v34 =	vshll.u32 v3, $0x1  }
0x1b3: {  	v3 =	vand.u32 $0x7, v3;
	v4 =	vand.u32 $0xFFFFFFF0, v34  }
0x1b4: {  	v3 =	vor.u32 v3, v4  }
0x1b5: {  	v4 =	vperm.xlane v3, v0;
	_ =	sdelay $0x1  }
0x1b6: {  	v3 =	vperm.xlane v3, v2;
	v4 =	vadd.s32 v1, v4;
	_ =	sdelay $0x1  }
0x1b7: {  	v3 =	vadd.s32 v1, v3;
	_ =	sdelay $0x2  }
0x1b8: {  	[tilespmem:s7], [sflag:$0x1] =	stream.indirect_vreg.gather [hbm4b:s0+s3], $0x80, v4, vm0, $0xb8;
	[tilespmem:$0x10080] =	vst v63  }
0x1b9: {  	s20 =	simm.s32 $0x2880  }
0x1ba: {  	[tilespmem:s20], [sflag:$0x1] =	stream.indirect_vreg.gather [hbm4b:s0+s3], $0x80, v3, vm0, $0xb8;
	[tilespmem:$0x10080] =	vst v63  }
0x1bb: {  	v3 =	vld [tilespmem:$0x30];
	_ =	sdelay $0x4  }
0x1bc: {  	v35 =	vshll.u32 v3, $0x1  }
0x1bd: {  	v3 =	vand.u32 $0x7, v3;
	v4 =	vand.u32 $0xFFFFFFF0, v35  }
0x1be: {  	v3 =	vor.u32 v3, v4  }
0x1bf: {  	v4 =	vperm.xlane v3, v0;
	_ =	sdelay $0x1  }
0x1c0: {  	v3 =	vperm.xlane v3, v2;
	v4 =	vadd.s32 v1, v4;
	_ =	sdelay $0x1  }
0x1c1: {  	v3 =	vadd.s32 v1, v3;
	_ =	sdelay $0x2  }
0x1c2: {  	[tilespmem:s8], [sflag:$0x1] =	stream.indirect_vreg.gather [hbm4b:s0+s3], $0x80, v4, vm0, $0xb8;
	[tilespmem:$0x10080] =	vst v63  }
0x1c3: {  	_ = 	snop  }
0x1c4: {  	[tilespmem:s12], [sflag:$0x1] =	stream.indirect_vreg.gather [hbm4b:s0+s3], $0x80, v3, vm0, $0xb8;
	[tilespmem:$0x10080] =	vst v63  }
0x1c5: {  	v3 =	vld [tilespmem:$0x40];
	_ =	sdelay $0x4  }
0x1c6: {  	v36 =	vshll.u32 v3, $0x1  }
0x1c7: {  	v3 =	vand.u32 $0x7, v3;
	v4 =	vand.u32 $0xFFFFFFF0, v36  }
0x1c8: {  	v3 =	vor.u32 v3, v4  }
0x1c9: {  	v4 =	vperm.xlane v3, v0;
	_ =	sdelay $0x1  }
0x1ca: {  	v3 =	vperm.xlane v3, v2;
	v4 =	vadd.s32 v1, v4;
	_ =	sdelay $0x1  }
0x1cb: {  	v3 =	vadd.s32 v1, v3;
	_ =	sdelay $0x1  }
0x1cc: {  	s31 =	simm.s32 $0x4080  }
0x1cd: {  	[tilespmem:s31], [sflag:$0x1] =	stream.indirect_vreg.gather [hbm4b:s0+s3], $0x80, v4, vm0, $0xb8;
	[tilespmem:$0x10080] =	vst v63  }
0x1ce: {  	_ = 	snop  }
0x1cf: {  	[tilespmem:s21], [sflag:$0x1] =	stream.indirect_vreg.gather [hbm4b:s0+s3], $0x80, v3, vm0, $0xb8;
	[tilespmem:$0x10080] =	vst v63  }
0x1d0: {  	v3 =	vld [tilespmem:$0x50];
	_ =	sdelay $0x4  }
0x1d1: {  	v37 =	vshll.u32 v3, $0x1  }
0x1d2: {  	v3 =	vand.u32 $0x7, v3;
	v4 =	vand.u32 $0xFFFFFFF0, v37  }
0x1d3: {  	v3 =	vor.u32 v3, v4  }
0x1d4: {  	v4 =	vperm.xlane v3, v0;
	_ =	sdelay $0x1  }
0x1d5: {  	v3 =	vperm.xlane v3, v2;
	v4 =	vadd.s32 v1, v4;
	_ =	sdelay $0x1  }
0x1d6: {  	v3 =	vadd.s32 v1, v3;
	_ =	sdelay $0x1  }
0x1d7: {  	s16 =	simm.s32 $0x5080  }
0x1d8: {  	[tilespmem:s16], [sflag:$0x1] =	stream.indirect_vreg.gather [hbm4b:s0+s3], $0x80, v4, vm0, $0xb8;
	[tilespmem:$0x10080] =	vst v63  }
0x1d9: {  	s18 =	simm.s32 $0x5880  }
0x1da: {  	[tilespmem:s18], [sflag:$0x1] =	stream.indirect_vreg.gather [hbm4b:s0+s3], $0x80, v3, vm0, $0xb8;
	[tilespmem:$0x10080] =	vst v63  }
0x1db: {  	v3 =	vld [tilespmem:$0x60];
	_ =	sdelay $0x4  }
0x1dc: {  	v38 =	vshll.u32 v3, $0x1  }
0x1dd: {  	v3 =	vand.u32 $0x7, v3;
	v4 =	vand.u32 $0xFFFFFFF0, v38  }
0x1de: {  	v3 =	vor.u32 v3, v4  }
0x1df: {  	v4 =	vperm.xlane v3, v0;
	_ =	sdelay $0x1  }
0x1e0: {  	v3 =	vperm.xlane v3, v2;
	v4 =	vadd.s32 v1, v4;
	_ =	sdelay $0x1  }
0x1e1: {  	v3 =	vadd.s32 v1, v3;
	_ =	sdelay $0x2  }
0x1e2: {  	[tilespmem:s13], [sflag:$0x1] =	stream.indirect_vreg.gather [hbm4b:s0+s3], $0x80, v4, vm0, $0xb8;
	[tilespmem:$0x10080] =	vst v63  }
0x1e3: {  	_ = 	snop  }
0x1e4: {  	[tilespmem:s17], [sflag:$0x1] =	stream.indirect_vreg.gather [hbm4b:s0+s3], $0x80, v3, vm0, $0xb8;
	[tilespmem:$0x10080] =	vst v63  }
0x1e5: {  	v3 =	vld [tilespmem:$0x70];
	_ =	sdelay $0x4  }
0x1e6: {  	v39 =	vshll.u32 v3, $0x1  }
0x1e7: {  	v3 =	vand.u32 $0x7, v3;
	v4 =	vand.u32 $0xFFFFFFF0, v39  }
0x1e8: {  	v3 =	vor.u32 v3, v4  }
0x1e9: {  	v4 =	vperm.xlane v3, v0;
	_ =	sdelay $0x1  }
0x1ea: {  	v3 =	vperm.xlane v3, v2;
	v4 =	vadd.s32 v1, v4;
	_ =	sdelay $0x1  }
0x1eb: {  	v3 =	vadd.s32 v1, v3;
	_ =	sdelay $0x2  }
0x1ec: {  	[tilespmem:s1], [sflag:$0x1] =	stream.indirect_vreg.gather [hbm4b:s0+s3], $0x80, v4, vm0, $0xb8;
	[tilespmem:$0x10080] =	vst v63  }
0x1ed: {  	_ = 	snop  }
0x1ee: {  	[tilespmem:s9], [sflag:$0x1] =	stream.indirect_vreg.gather [hbm4b:s0+s3], $0x80, v3, vm0, $0xb8;
	[tilespmem:$0x10080] =	vst v63  }
0x1ef: {  	v3 =	vld [tilespmem:$0x0];
	_ =	sdelay $0x4  }
0x1f0: {  	v40 =	vshll.u32 v3, $0x1  }
0x1f1: {  	v3 =	vand.u32 $0x7, v3;
	v4 =	vand.u32 $0xFFFFFFF0, v40  }
0x1f2: {  	v3 =	vor.u32 v3, v4  }
0x1f3: {  	v4 =	vperm.xlane v3, v0;
	_ =	sdelay $0x1  }
0x1f4: {  	v3 =	vperm.xlane v3, v2;
	v4 =	vadd.s32 v1, v4;
	_ =	sdelay $0x1  }
0x1f5: {  	v3 =	vadd.s32 v1, v3;
	_ =	sdelay $0x2  }
0x1f6: {  	[tilespmem:s23], [sflag:$0x2] =	stream.indirect_vreg.gather [hbm4b:s4+s3], $0x80, v4, vm0, $0xb8;
	[tilespmem:$0x10080] =	vst v63  }
0x1f7: {  	_ = 	snop  }
0x1f8: {  	[tilespmem:s10], [sflag:$0x2] =	stream.indirect_vreg.gather [hbm4b:s4+s3], $0x80, v3, vm0, $0xb8;
	[tilespmem:$0x10080] =	vst v63  }
0x1f9: {  	v3 =	vld [tilespmem:$0x10];
	_ =	sdelay $0x4  }
0x1fa: {  	v41 =	vshll.u32 v3, $0x1  }
0x1fb: {  	v3 =	vand.u32 $0x7, v3;
	v4 =	vand.u32 $0xFFFFFFF0, v41  }
0x1fc: {  	v3 =	vor.u32 v3, v4  }
0x1fd: {  	v4 =	vperm.xlane v3, v0;
	_ =	sdelay $0x1  }
0x1fe: {  	v3 =	vperm.xlane v3, v2;
	v4 =	vadd.s32 v1, v4;
	_ =	sdelay $0x1  }
0x1ff: {  	v3 =	vadd.s32 v1, v3;
	_ =	sdelay $0x2  }
0x200: {  	[tilespmem:s2], [sflag:$0x2] =	stream.indirect_vreg.gather [hbm4b:s4+s3], $0x80, v4, vm0, $0xb8;
	[tilespmem:$0x10080] =	vst v63  }
0x201: {  	_ = 	snop  }
0x202: {  	[tilespmem:s11], [sflag:$0x2] =	stream.indirect_vreg.gather [hbm4b:s4+s3], $0x80, v3, vm0, $0xb8;
	[tilespmem:$0x10080] =	vst v63  }
0x203: {  	v3 =	vld [tilespmem:$0x20];
	_ =	sdelay $0x4  }
0x204: {  	v42 =	vshll.u32 v3, $0x1  }
0x205: {  	v3 =	vand.u32 $0x7, v3;
	v4 =	vand.u32 $0xFFFFFFF0, v42  }
0x206: {  	v3 =	vor.u32 v3, v4  }
0x207: {  	v4 =	vperm.xlane v3, v0;
	_ =	sdelay $0x1  }
0x208: {  	v3 =	vperm.xlane v3, v2;
	v4 =	vadd.s32 v1, v4;
	_ =	sdelay $0x1  }
0x209: {  	v3 =	vadd.s32 v1, v3;
	_ =	sdelay $0x1  }
0x20a: {  	s26 =	simm.s32 $0xA080  }
0x20b: {  	[tilespmem:s26], [sflag:$0x2] =	stream.indirect_vreg.gather [hbm4b:s4+s3], $0x80, v4, vm0, $0xb8;
	[tilespmem:$0x10080] =	vst v63  }
0x20c: {  	_ = 	snop  }
0x20d: {  	[tilespmem:s22], [sflag:$0x2] =	stream.indirect_vreg.gather [hbm4b:s4+s3], $0x80, v3, vm0, $0xb8;
	[tilespmem:$0x10080] =	vst v63  }
0x20e: {  	v3 =	vld [tilespmem:$0x30];
	_ =	sdelay $0x4  }
0x20f: {  	v43 =	vshll.u32 v3, $0x1  }
0x210: {  	v3 =	vand.u32 $0x7, v3;
	v4 =	vand.u32 $0xFFFFFFF0, v43  }
0x211: {  	v3 =	vor.u32 v3, v4  }
0x212: {  	v4 =	vperm.xlane v3, v0;
	_ =	sdelay $0x1  }
0x213: {  	v3 =	vperm.xlane v3, v2;
	v4 =	vadd.s32 v1, v4;
	_ =	sdelay $0x1  }
0x214: {  	v3 =	vadd.s32 v1, v3;
	_ =	sdelay $0x1  }
0x215: {  	s29 =	simm.s32 $0xB080  }
0x216: {  	[tilespmem:s29], [sflag:$0x2] =	stream.indirect_vreg.gather [hbm4b:s4+s3], $0x80, v4, vm0, $0xb8;
	[tilespmem:$0x10080] =	vst v63  }
0x217: {  	s28 =	simm.s32 $0xB880  }
0x218: {  	[tilespmem:s28], [sflag:$0x2] =	stream.indirect_vreg.gather [hbm4b:s4+s3], $0x80, v3, vm0, $0xb8;
	[tilespmem:$0x10080] =	vst v63  }
0x219: {  	v3 =	vld [tilespmem:$0x40];
	_ =	sdelay $0x4  }
0x21a: {  	v44 =	vshll.u32 v3, $0x1  }
0x21b: {  	v3 =	vand.u32 $0x7, v3;
	v4 =	vand.u32 $0xFFFFFFF0, v44  }
0x21c: {  	v3 =	vor.u32 v3, v4  }
0x21d: {  	v4 =	vperm.xlane v3, v0;
	_ =	sdelay $0x1  }
0x21e: {  	v3 =	vperm.xlane v3, v2;
	v4 =	vadd.s32 v1, v4;
	_ =	sdelay $0x1  }
0x21f: {  	v3 =	vadd.s32 v1, v3;
	_ =	sdelay $0x1  }
0x220: {  	s24 =	simm.s32 $0xC080  }
0x221: {  	[tilespmem:s24], [sflag:$0x2] =	stream.indirect_vreg.gather [hbm4b:s4+s3], $0x80, v4, vm0, $0xb8;
	[tilespmem:$0x10080] =	vst v63  }
0x222: {  	s24 =	simm.s32 $0xC880  }
0x223: {  	[tilespmem:s24], [sflag:$0x2] =	stream.indirect_vreg.gather [hbm4b:s4+s3], $0x80, v3, vm0, $0xb8;
	[tilespmem:$0x10080] =	vst v63  }
0x224: {  	v3 =	vld [tilespmem:$0x50];
	_ =	sdelay $0x4  }
0x225: {  	v45 =	vshll.u32 v3, $0x1  }
0x226: {  	v3 =	vand.u32 $0x7, v3;
	v4 =	vand.u32 $0xFFFFFFF0, v45  }
0x227: {  	v3 =	vor.u32 v3, v4  }
0x228: {  	v4 =	vperm.xlane v3, v0;
	_ =	sdelay $0x1  }
0x229: {  	v3 =	vperm.xlane v3, v2;
	v4 =	vadd.s32 v1, v4;
	_ =	sdelay $0x1  }
0x22a: {  	v3 =	vadd.s32 v1, v3;
	_ =	sdelay $0x1  }
0x22b: {  	s25 =	simm.s32 $0xD080  }
0x22c: {  	[tilespmem:s25], [sflag:$0x2] =	stream.indirect_vreg.gather [hbm4b:s4+s3], $0x80, v4, vm0, $0xb8;
	[tilespmem:$0x10080] =	vst v63  }
0x22d: {  	s28 =	simm.s32 $0xD880  }
0x22e: {  	[tilespmem:s28], [sflag:$0x2] =	stream.indirect_vreg.gather [hbm4b:s4+s3], $0x80, v3, vm0, $0xb8;
	[tilespmem:$0x10080] =	vst v63  }
0x22f: {  	v3 =	vld [tilespmem:$0x60];
	_ =	sdelay $0x4  }
0x230: {  	v46 =	vshll.u32 v3, $0x1  }
0x231: {  	v3 =	vand.u32 $0x7, v3;
	v4 =	vand.u32 $0xFFFFFFF0, v46  }
0x232: {  	v3 =	vor.u32 v3, v4  }
0x233: {  	v4 =	vperm.xlane v3, v0;
	_ =	sdelay $0x1  }
0x234: {  	v3 =	vperm.xlane v3, v2;
	v4 =	vadd.s32 v1, v4;
	_ =	sdelay $0x1  }
0x235: {  	v3 =	vadd.s32 v1, v3;
	_ =	sdelay $0x1  }
0x236: {  	s25 =	simm.s32 $0xE080  }
0x237: {  	[tilespmem:s25], [sflag:$0x2] =	stream.indirect_vreg.gather [hbm4b:s4+s3], $0x80, v4, vm0, $0xb8;
	[tilespmem:$0x10080] =	vst v63  }
0x238: {  	s28 =	simm.s32 $0xE880  }
0x239: {  	[tilespmem:s28], [sflag:$0x2] =	stream.indirect_vreg.gather [hbm4b:s4+s3], $0x80, v3, vm0, $0xb8;
	[tilespmem:$0x10080] =	vst v63  }
0x23a: {  	v3 =	vld [tilespmem:$0x70];
	_ =	sdelay $0x4  }
0x23b: {  	v47 =	vshll.u32 v3, $0x1  }
0x23c: {  	v3 =	vand.u32 $0x7, v3;
	v4 =	vand.u32 $0xFFFFFFF0, v47  }
0x23d: {  	v3 =	vor.u32 v3, v4  }
0x23e: {  	v4 =	vperm.xlane v3, v0;
	_ =	sdelay $0x1  }
0x23f: {  	v3 =	vperm.xlane v3, v2;
	v4 =	vadd.s32 v1, v4;
	_ =	sdelay $0x1  }
0x240: {  	v3 =	vadd.s32 v1, v3;
	_ =	sdelay $0x1  }
0x241: {  	s19 =	simm.s32 $0xF080  }
0x242: {  	[tilespmem:s19], [sflag:$0x2] =	stream.indirect_vreg.gather [hbm4b:s4+s3], $0x80, v4, vm0, $0xb8;
	[tilespmem:$0x10080] =	vst v63  }
0x243: {  	s19 =	simm.s32 $0xF880  }
0x244: {  	[tilespmem:s19], [sflag:$0x2] =	stream.indirect_vreg.gather [hbm4b:s4+s3], $0x80, v3, vm0, $0xb8;
	[tilespmem:$0x10080] =	vst v63  }
0x245: {  	_ =	swait.ge [sflag:s14], $0x8000  }
0x246: {  	[sflag:s14] =	ssyncset.done $0x0  }
0x247: {  	[sflag:s14] =	ssyncadd.s32 $0xFFFF8000  }
0x248: {  	_ =	swait.ge [sflag:s15], $0x8000  }
0x249: {  	[sflag:s15] =	ssyncset.done $0x0  }
0x24a: {  	s16 =	rddreg [dreg:$0xd];
	[sflag:s15] =	ssyncadd.s32 $0xFFFF8000  }
0x24b: {  	[hbm4b:s16+s3] =	stream.linear.scatter [tilespmem:s30], [sflag:$0x3], $0x8000, $0x38;
	[tilespmem:$0x10080] =	vst v63  }
0x24c: {  	_ =	swait.ge [sflag:s6], $0x8000  }
0x24d: {  	[sflag:s6] =	ssyncset.done $0x0  }
0x24e: {  	s16 =	rddreg [dreg:$0xe];
	[sflag:s6] =	ssyncadd.s32 $0xFFFF8000  }
0x24f: {  	[hbm4b:s16+s3] =	stream.linear.scatter [tilespmem:s23], [sflag:$0x3], $0x8000, $0x38;
	[tilespmem:$0x10080] =	vst v63  }
0x250: {  	_ =	swait.ge [sflag:s6], $0x8000  }
0x251: {  	[sflag:s6] =	ssyncset.done $0x0  }
0x252: {  	s16 =	rddreg [dreg:$0xf];
	[sflag:s6] =	ssyncadd.s32 $0xFFFF8000  }
0x253: {  	[tilespmem:s3], [sflag:$0x3] =	stream.linear.gather [hbm4b:s16+s3], $0x80, $0x38;
	[tilespmem:$0x10080] =	vst v63  }
0x254: {  	_ =	swait.ge [sflag:s6], $0x80  }
0x255: {  	[sflag:s6] =	ssyncset.done $0x0  }
0x256: {  	[sflag:s6] =	ssyncadd.s32 $0xFFFFFF80  }
0x257: {  	v3 =	vld [tilespmem:$0x0];
	_ =	sdelay $0x4  }
0x258: {  	v48 =	vshll.u32 v3, $0x1  }
0x259: {  	v3 =	vand.u32 $0x7, v3;
	v4 =	vand.u32 $0xFFFFFFF0, v48  }
0x25a: {  	v3 =	vor.u32 v3, v4  }
0x25b: {  	v4 =	vperm.xlane v3, v0;
	_ =	sdelay $0x1  }
0x25c: {  	v3 =	vperm.xlane v3, v2;
	v4 =	vadd.s32 v1, v4;
	_ =	sdelay $0x1  }
0x25d: {  	v3 =	vadd.s32 v1, v3;
	_ =	sdelay $0x2  }
0x25e: {  	[tilespmem:s30], [sflag:$0x1] =	stream.indirect_vreg.gather [hbm4b:s0+s3], $0x80, v4, vm0, $0xb8;
	[tilespmem:$0x10080] =	vst v63  }
0x25f: {  	s16 =	simm.s32 $0x880  }
0x260: {  	[tilespmem:s16], [sflag:$0x1] =	stream.indirect_vreg.gather [hbm4b:s0+s3], $0x80, v3, vm0, $0xb8;
	[tilespmem:$0x10080] =	vst v63  }
0x261: {  	v3 =	vld [tilespmem:$0x10];
	_ =	sdelay $0x4  }
0x262: {  	v49 =	vshll.u32 v3, $0x1  }
0x263: {  	v3 =	vand.u32 $0x7, v3;
	v4 =	vand.u32 $0xFFFFFFF0, v49  }
0x264: {  	v3 =	vor.u32 v3, v4  }
0x265: {  	v4 =	vperm.xlane v3, v0;
	_ =	sdelay $0x1  }
0x266: {  	v3 =	vperm.xlane v3, v2;
	v4 =	vadd.s32 v1, v4;
	_ =	sdelay $0x1  }
0x267: {  	v3 =	vadd.s32 v1, v3;
	_ =	sdelay $0x1  }
0x268: {  	s16 =	simm.s32 $0x1080  }
0x269: {  	[tilespmem:s16], [sflag:$0x1] =	stream.indirect_vreg.gather [hbm4b:s0+s3], $0x80, v4, vm0, $0xb8;
	[tilespmem:$0x10080] =	vst v63  }
0x26a: {  	s16 =	simm.s32 $0x1880  }
0x26b: {  	[tilespmem:s16], [sflag:$0x1] =	stream.indirect_vreg.gather [hbm4b:s0+s3], $0x80, v3, vm0, $0xb8;
	[tilespmem:$0x10080] =	vst v63  }
0x26c: {  	v3 =	vld [tilespmem:$0x20];
	_ =	sdelay $0x4  }
0x26d: {  	v50 =	vshll.u32 v3, $0x1  }
0x26e: {  	v3 =	vand.u32 $0x7, v3;
	v4 =	vand.u32 $0xFFFFFFF0, v50  }
0x26f: {  	v3 =	vor.u32 v3, v4  }
0x270: {  	v4 =	vperm.xlane v3, v0;
	_ =	sdelay $0x1  }
0x271: {  	v3 =	vperm.xlane v3, v2;
	v4 =	vadd.s32 v1, v4;
	_ =	sdelay $0x1  }
0x272: {  	v3 =	vadd.s32 v1, v3;
	_ =	sdelay $0x1  }
0x273: {  	s7 =	simm.s32 $0x2080  }
0x274: {  	[tilespmem:s7], [sflag:$0x1] =	stream.indirect_vreg.gather [hbm4b:s0+s3], $0x80, v4, vm0, $0xb8;
	[tilespmem:$0x10080] =	vst v63  }
0x275: {  	s16 =	simm.s32 $0x2880  }
0x276: {  	[tilespmem:s16], [sflag:$0x1] =	stream.indirect_vreg.gather [hbm4b:s0+s3], $0x80, v3, vm0, $0xb8;
	[tilespmem:$0x10080] =	vst v63  }
0x277: {  	v3 =	vld [tilespmem:$0x30];
	_ =	sdelay $0x4  }
0x278: {  	v51 =	vshll.u32 v3, $0x1  }
0x279: {  	v3 =	vand.u32 $0x7, v3;
	v4 =	vand.u32 $0xFFFFFFF0, v51  }
0x27a: {  	v3 =	vor.u32 v3, v4  }
0x27b: {  	v4 =	vperm.xlane v3, v0;
	_ =	sdelay $0x1  }
0x27c: {  	v3 =	vperm.xlane v3, v2;
	v4 =	vadd.s32 v1, v4;
	_ =	sdelay $0x1  }
0x27d: {  	v3 =	vadd.s32 v1, v3;
	_ =	sdelay $0x1  }
0x27e: {  	s8 =	simm.s32 $0x3080  }
0x27f: {  	[tilespmem:s8], [sflag:$0x1] =	stream.indirect_vreg.gather [hbm4b:s0+s3], $0x80, v4, vm0, $0xb8;
	[tilespmem:$0x10080] =	vst v63  }
0x280: {  	s20 =	simm.s32 $0x3880  }
0x281: {  	[tilespmem:s20], [sflag:$0x1] =	stream.indirect_vreg.gather [hbm4b:s0+s3], $0x80, v3, vm0, $0xb8;
	[tilespmem:$0x10080] =	vst v63  }
0x282: {  	v3 =	vld [tilespmem:$0x40];
	_ =	sdelay $0x4  }
0x283: {  	v52 =	vshll.u32 v3, $0x1  }
0x284: {  	v3 =	vand.u32 $0x7, v3;
	v4 =	vand.u32 $0xFFFFFFF0, v52  }
0x285: {  	v3 =	vor.u32 v3, v4  }
0x286: {  	v4 =	vperm.xlane v3, v0;
	_ =	sdelay $0x1  }
0x287: {  	v3 =	vperm.xlane v3, v2;
	v4 =	vadd.s32 v1, v4;
	_ =	sdelay $0x1  }
0x288: {  	v3 =	vadd.s32 v1, v3;
	_ =	sdelay $0x1  }
0x289: {  	s16 =	simm.s32 $0x4080  }
0x28a: {  	[tilespmem:s16], [sflag:$0x1] =	stream.indirect_vreg.gather [hbm4b:s0+s3], $0x80, v4, vm0, $0xb8;
	[tilespmem:$0x10080] =	vst v63  }
0x28b: {  	s21 =	simm.s32 $0x4880  }
0x28c: {  	[tilespmem:s21], [sflag:$0x1] =	stream.indirect_vreg.gather [hbm4b:s0+s3], $0x80, v3, vm0, $0xb8;
	[tilespmem:$0x10080] =	vst v63  }
0x28d: {  	v3 =	vld [tilespmem:$0x50];
	_ =	sdelay $0x4  }
0x28e: {  	v53 =	vshll.u32 v3, $0x1  }
0x28f: {  	v3 =	vand.u32 $0x7, v3;
	v4 =	vand.u32 $0xFFFFFFF0, v53  }
0x290: {  	v3 =	vor.u32 v3, v4  }
0x291: {  	v4 =	vperm.xlane v3, v0;
	_ =	sdelay $0x1  }
0x292: {  	v3 =	vperm.xlane v3, v2;
	v4 =	vadd.s32 v1, v4;
	_ =	sdelay $0x1  }
0x293: {  	v3 =	vadd.s32 v1, v3;
	_ =	sdelay $0x1  }
0x294: {  	s20 =	simm.s32 $0x5080  }
0x295: {  	[tilespmem:s20], [sflag:$0x1] =	stream.indirect_vreg.gather [hbm4b:s0+s3], $0x80, v4, vm0, $0xb8;
	[tilespmem:$0x10080] =	vst v63  }
0x296: {  	s21 =	simm.s32 $0x5880  }
0x297: {  	[tilespmem:s21], [sflag:$0x1] =	stream.indirect_vreg.gather [hbm4b:s0+s3], $0x80, v3, vm0, $0xb8;
	[tilespmem:$0x10080] =	vst v63  }
0x298: {  	v3 =	vld [tilespmem:$0x60];
	_ =	sdelay $0x4  }
0x299: {  	v54 =	vshll.u32 v3, $0x1  }
0x29a: {  	v3 =	vand.u32 $0x7, v3;
	v4 =	vand.u32 $0xFFFFFFF0, v54  }
0x29b: {  	v3 =	vor.u32 v3, v4  }
0x29c: {  	v4 =	vperm.xlane v3, v0;
	_ =	sdelay $0x1  }
0x29d: {  	v3 =	vperm.xlane v3, v2;
	v4 =	vadd.s32 v1, v4;
	_ =	sdelay $0x1  }
0x29e: {  	v3 =	vadd.s32 v1, v3;
	_ =	sdelay $0x1  }
0x29f: {  	s13 =	simm.s32 $0x6080  }
0x2a0: {  	[tilespmem:s13], [sflag:$0x1] =	stream.indirect_vreg.gather [hbm4b:s0+s3], $0x80, v4, vm0, $0xb8;
	[tilespmem:$0x10080] =	vst v63  }
0x2a1: {  	s17 =	simm.s32 $0x6880  }
0x2a2: {  	[tilespmem:s17], [sflag:$0x1] =	stream.indirect_vreg.gather [hbm4b:s0+s3], $0x80, v3, vm0, $0xb8;
	[tilespmem:$0x10080] =	vst v63  }
0x2a3: {  	v3 =	vld [tilespmem:$0x70];
	_ =	sdelay $0x4  }
0x2a4: {  	v55 =	vshll.u32 v3, $0x1  }
0x2a5: {  	v3 =	vand.u32 $0x7, v3;
	v4 =	vand.u32 $0xFFFFFFF0, v55  }
0x2a6: {  	v3 =	vor.u32 v3, v4  }
0x2a7: {  	v4 =	vperm.xlane v3, v0;
	_ =	sdelay $0x1  }
0x2a8: {  	v3 =	vperm.xlane v3, v2;
	v4 =	vadd.s32 v1, v4;
	_ =	sdelay $0x1  }
0x2a9: {  	v3 =	vadd.s32 v1, v3;
	_ =	sdelay $0x1  }
0x2aa: {  	s1 =	simm.s32 $0x7080  }
0x2ab: {  	[tilespmem:s1], [sflag:$0x1] =	stream.indirect_vreg.gather [hbm4b:s0+s3], $0x80, v4, vm0, $0xb8;
	[tilespmem:$0x10080] =	vst v63  }
0x2ac: {  	s9 =	simm.s32 $0x7880  }
0x2ad: {  	[tilespmem:s9], [sflag:$0x1] =	stream.indirect_vreg.gather [hbm4b:s0+s3], $0x80, v3, vm0, $0xb8;
	[tilespmem:$0x10080] =	vst v63  }
0x2ae: {  	v3 =	vld [tilespmem:$0x0];
	_ =	sdelay $0x4  }
0x2af: {  	v56 =	vshll.u32 v3, $0x1  }
0x2b0: {  	v3 =	vand.u32 $0x7, v3;
	v4 =	vand.u32 $0xFFFFFFF0, v56  }
0x2b1: {  	v3 =	vor.u32 v3, v4  }
0x2b2: {  	v4 =	vperm.xlane v3, v0;
	_ =	sdelay $0x1  }
0x2b3: {  	v3 =	vperm.xlane v3, v2;
	v4 =	vadd.s32 v1, v4;
	_ =	sdelay $0x1  }
0x2b4: {  	v3 =	vadd.s32 v1, v3;
	_ =	sdelay $0x2  }
0x2b5: {  	[tilespmem:s23], [sflag:$0x2] =	stream.indirect_vreg.gather [hbm4b:s4+s3], $0x80, v4, vm0, $0xb8;
	[tilespmem:$0x10080] =	vst v63  }
0x2b6: {  	s10 =	simm.s32 $0x8880  }
0x2b7: {  	[tilespmem:s10], [sflag:$0x2] =	stream.indirect_vreg.gather [hbm4b:s4+s3], $0x80, v3, vm0, $0xb8;
	[tilespmem:$0x10080] =	vst v63  }
0x2b8: {  	v3 =	vld [tilespmem:$0x10];
	_ =	sdelay $0x4  }
0x2b9: {  	v57 =	vshll.u32 v3, $0x1  }
0x2ba: {  	v3 =	vand.u32 $0x7, v3;
	v4 =	vand.u32 $0xFFFFFFF0, v57  }
0x2bb: {  	v3 =	vor.u32 v3, v4  }
0x2bc: {  	v4 =	vperm.xlane v3, v0;
	_ =	sdelay $0x1  }
0x2bd: {  	v3 =	vperm.xlane v3, v2;
	v4 =	vadd.s32 v1, v4;
	_ =	sdelay $0x1  }
0x2be: {  	v3 =	vadd.s32 v1, v3;
	_ =	sdelay $0x1  }
0x2bf: {  	s2 =	simm.s32 $0x9080  }
0x2c0: {  	[tilespmem:s2], [sflag:$0x2] =	stream.indirect_vreg.gather [hbm4b:s4+s3], $0x80, v4, vm0, $0xb8;
	[tilespmem:$0x10080] =	vst v63  }
0x2c1: {  	s11 =	simm.s32 $0x9880  }
0x2c2: {  	[tilespmem:s11], [sflag:$0x2] =	stream.indirect_vreg.gather [hbm4b:s4+s3], $0x80, v3, vm0, $0xb8;
	[tilespmem:$0x10080] =	vst v63  }
0x2c3: {  	v3 =	vld [tilespmem:$0x20];
	_ =	sdelay $0x4  }
0x2c4: {  	v58 =	vshll.u32 v3, $0x1  }
0x2c5: {  	v3 =	vand.u32 $0x7, v3;
	v4 =	vand.u32 $0xFFFFFFF0, v58  }
0x2c6: {  	v3 =	vor.u32 v3, v4  }
0x2c7: {  	v4 =	vperm.xlane v3, v0;
	_ =	sdelay $0x1  }
0x2c8: {  	v3 =	vperm.xlane v3, v2;
	v4 =	vadd.s32 v1, v4;
	_ =	sdelay $0x1  }
0x2c9: {  	v3 =	vadd.s32 v1, v3;
	_ =	sdelay $0x1  }
0x2ca: {  	s31 =	simm.s32 $0xA080  }
0x2cb: {  	[tilespmem:s31], [sflag:$0x2] =	stream.indirect_vreg.gather [hbm4b:s4+s3], $0x80, v4, vm0, $0xb8;
	[tilespmem:$0x10080] =	vst v63  }
0x2cc: {  	s12 =	simm.s32 $0xA880  }
0x2cd: {  	[tilespmem:s12], [sflag:$0x2] =	stream.indirect_vreg.gather [hbm4b:s4+s3], $0x80, v3, vm0, $0xb8;
	[tilespmem:$0x10080] =	vst v63  }
0x2ce: {  	v3 =	vld [tilespmem:$0x30];
	_ =	sdelay $0x4  }
0x2cf: {  	v59 =	vshll.u32 v3, $0x1  }
0x2d0: {  	v3 =	vand.u32 $0x7, v3;
	v4 =	vand.u32 $0xFFFFFFF0, v59  }
0x2d1: {  	v3 =	vor.u32 v3, v4  }
0x2d2: {  	v4 =	vperm.xlane v3, v0;
	_ =	sdelay $0x1  }
0x2d3: {  	v3 =	vperm.xlane v3, v2;
	v4 =	vadd.s32 v1, v4;
	_ =	sdelay $0x1  }
0x2d4: {  	v3 =	vadd.s32 v1, v3;
	_ =	sdelay $0x1  }
0x2d5: {  	s18 =	simm.s32 $0xB080  }
0x2d6: {  	[tilespmem:s18], [sflag:$0x2] =	stream.indirect_vreg.gather [hbm4b:s4+s3], $0x80, v4, vm0, $0xb8;
	[tilespmem:$0x10080] =	vst v63  }
0x2d7: {  	s26 =	simm.s32 $0xB880  }
0x2d8: {  	[tilespmem:s26], [sflag:$0x2] =	stream.indirect_vreg.gather [hbm4b:s4+s3], $0x80, v3, vm0, $0xb8;
	[tilespmem:$0x10080] =	vst v63  }
0x2d9: {  	v3 =	vld [tilespmem:$0x40];
	_ =	sdelay $0x4  }
0x2da: {  	v60 =	vshll.u32 v3, $0x1  }
0x2db: {  	v3 =	vand.u32 $0x7, v3;
	v4 =	vand.u32 $0xFFFFFFF0, v60  }
0x2dc: {  	v3 =	vor.u32 v3, v4  }
0x2dd: {  	v4 =	vperm.xlane v3, v0;
	_ =	sdelay $0x1  }
0x2de: {  	v3 =	vperm.xlane v3, v2;
	v4 =	vadd.s32 v1, v4;
	_ =	sdelay $0x1  }
0x2df: {  	v3 =	vadd.s32 v1, v3;
	_ =	sdelay $0x1  }
0x2e0: {  	s22 =	simm.s32 $0xC080  }
0x2e1: {  	[tilespmem:s22], [sflag:$0x2] =	stream.indirect_vreg.gather [hbm4b:s4+s3], $0x80, v4, vm0, $0xb8;
	[tilespmem:$0x10080] =	vst v63  }
0x2e2: {  	s29 =	simm.s32 $0xC880  }
0x2e3: {  	[tilespmem:s29], [sflag:$0x2] =	stream.indirect_vreg.gather [hbm4b:s4+s3], $0x80, v3, vm0, $0xb8;
	[tilespmem:$0x10080] =	vst v63  }
0x2e4: {  	v3 =	vld [tilespmem:$0x50];
	_ =	sdelay $0x4  }
0x2e5: {  	v61 =	vshll.u32 v3, $0x1  }
0x2e6: {  	v3 =	vand.u32 $0x7, v3;
	v4 =	vand.u32 $0xFFFFFFF0, v61  }
0x2e7: {  	v3 =	vor.u32 v3, v4  }
0x2e8: {  	v4 =	vperm.xlane v3, v0;
	_ =	sdelay $0x1  }
0x2e9: {  	v3 =	vperm.xlane v3, v2;
	v4 =	vadd.s32 v1, v4;
	_ =	sdelay $0x1  }
0x2ea: {  	v3 =	vadd.s32 v1, v3;
	_ =	sdelay $0x1  }
0x2eb: {  	s24 =	simm.s32 $0xD080  }
0x2ec: {  	[tilespmem:s24], [sflag:$0x2] =	stream.indirect_vreg.gather [hbm4b:s4+s3], $0x80, v4, vm0, $0xb8;
	[tilespmem:$0x10080] =	vst v63  }
0x2ed: {  	s24 =	simm.s32 $0xD880  }
0x2ee: {  	[tilespmem:s24], [sflag:$0x2] =	stream.indirect_vreg.gather [hbm4b:s4+s3], $0x80, v3, vm0, $0xb8;
	[tilespmem:$0x10080] =	vst v63  }
0x2ef: {  	v3 =	vld [tilespmem:$0x60];
	_ =	sdelay $0x4  }
0x2f0: {  	v62 =	vshll.u32 v3, $0x1  }
0x2f1: {  	v3 =	vand.u32 $0x7, v3;
	v4 =	vand.u32 $0xFFFFFFF0, v62  }
0x2f2: {  	v3 =	vor.u32 v3, v4  }
0x2f3: {  	v4 =	vperm.xlane v3, v0;
	_ =	sdelay $0x1  }
0x2f4: {  	v3 =	vperm.xlane v3, v2;
	v4 =	vadd.s32 v1, v4;
	_ =	sdelay $0x1  }
0x2f5: {  	v3 =	vadd.s32 v1, v3;
	_ =	sdelay $0x1  }
0x2f6: {  	s25 =	simm.s32 $0xE080  }
0x2f7: {  	[tilespmem:s25], [sflag:$0x2] =	stream.indirect_vreg.gather [hbm4b:s4+s3], $0x80, v4, vm0, $0xb8;
	[tilespmem:$0x10080] =	vst v63  }
0x2f8: {  	s26 =	simm.s32 $0xE880  }
0x2f9: {  	[tilespmem:s26], [sflag:$0x2] =	stream.indirect_vreg.gather [hbm4b:s4+s3], $0x80, v3, vm0, $0xb8;
	[tilespmem:$0x10080] =	vst v63  }
0x2fa: {  	v3 =	vld [tilespmem:$0x70];
	_ =	sdelay $0x4  }
0x2fb: {  	v63 =	vshll.u32 v3, $0x1  }
0x2fc: {  	v3 =	vand.u32 $0x7, v3;
	v4 =	vand.u32 $0xFFFFFFF0, v63  }
0x2fd: {  	v3 =	vor.u32 v3, v4  }
0x2fe: {  	v4 =	vperm.xlane v3, v0;
	_ =	sdelay $0x1  }
0x2ff: {  	v3 =	vperm.xlane v3, v2;
	v4 =	vadd.s32 v1, v4;
	_ =	sdelay $0x1  }
0x300: {  	v3 =	vadd.s32 v1, v3;
	_ =	sdelay $0x1  }
0x301: {  	s28 =	simm.s32 $0xF080  }
0x302: {  	[tilespmem:s28], [sflag:$0x2] =	stream.indirect_vreg.gather [hbm4b:s4+s3], $0x80, v4, vm0, $0xb8;
	[tilespmem:$0x10080] =	vst v63  }
0x303: {  	s19 =	simm.s32 $0xF880  }
0x304: {  	[tilespmem:s19], [sflag:$0x2] =	stream.indirect_vreg.gather [hbm4b:s4+s3], $0x80, v3, vm0, $0xb8;
	[tilespmem:$0x10080] =	vst v63  }
0x305: {  	_ =	swait.ge [sflag:s14], $0x8000  }
0x306: {  	[sflag:s14] =	ssyncset.done $0x0  }
0x307: {  	[sflag:s14] =	ssyncadd.s32 $0xFFFF8000  }
0x308: {  	_ =	swait.ge [sflag:s15], $0x8000  }
0x309: {  	[sflag:s15] =	ssyncset.done $0x0  }
0x30a: {  	s29 =	rddreg [dreg:$0x10];
	[sflag:s15] =	ssyncadd.s32 $0xFFFF8000  }
0x30b: {  	[hbm4b:s29+s3] =	stream.linear.scatter [tilespmem:s30], [sflag:$0x3], $0x8000, $0x38;
	[tilespmem:$0x10080] =	vst v63  }
0x30c: {  	_ =	swait.ge [sflag:s6], $0x8000  }
0x30d: {  	p0 =	sne.s32 s5, $0x1;
	[sflag:s6] =	ssyncset.done $0x0  }
.Ltmp0:
0x30e: {  	s31 =	rddreg [dreg:$0x11];
	[sflag:s6] =	ssyncadd.s32 $0xFFFF8000;
	(pc) =	sbr.rel @p0 .LBB2_1-.Ltmp0, $4  }
0x30f: {  	[hbm4b:s31+s3] =	stream.linear.scatter [tilespmem:s23], [sflag:$0x3], $0x8000, $0x38;
	[tilespmem:$0x10080] =	vst v63  }
0x310: {  	_ =	swait.ge [sflag:s6], $0x8000  }
0x311: {  	[sflag:s6] =	ssyncset.done $0x0  }
0x312: {  	s5 =	sadd.s32 $0xFFFFFFFF, s5;
	[sflag:s6] =	ssyncadd.s32 $0xFFFF8000  }
0x313: {  	_ =	sfence.sel $0x180000  }
0x314: {  	[bflag:$0x0] =	sbarrier.arrive $0xFFFF  }
0x315: {  	_ =	strace $0x90000047  }
0x316: {  	s0 =	stileid.u32;
	[bflag:$0x2] =	sbarrier.arrive $0xFFFF  }
0x317: {  	p0 =	sne.s32 s0, $0x0;
	s0 =	rddreg [dreg:$0x5]  }
0x318: {  	s0 =	sadd.s32 @!p0 $0x100000, s0  }
0x319: {  	[sflag:s0] =	ssyncadd.tile.s32 @!p0 $0x1;
	_ =	shalt  }
.Lfunc_end2:
_tile_overlayer_lowered:
.L_overlay_start_2:
0x31a: {  	(tag) =	ssettag $0x2  }
0x31b: {  	s0 =	rddreg [dreg:$0x0];
	s2 =	stileid.u32  }
0x31c: {  	s1 =	rddreg [dreg:$0x1];
	p0 =	sne.s32 s2, $0x0  }
0x31d: {  	s3 =	rddreg [dreg:$0x2];
	[bflag:$0x3] =	sbarrier.arrive $0xFFFF;
	s2 =	simm.s32 @!p0 $0x1C03  }
0x31e: {  	[timem:s3], [sflag:s2] =	dma.local @!p0 [hbm:s0], s1  }
0x31f: {  	s0 =	simm.s32 @!p0 $0x3  }
0x320: {  	_ =	swait.ge @!p0 [sflag:s0], s1  }
0x321: {  	s1 =	ssub.s32 @!p0 $0x0, s1;
	[sflag:s0] =	ssyncset.done @!p0 $0x0  }
0x322: {  	[sflag:s0] =	ssyncadd.s32 @!p0 s1  }
0x323: {  	[bflag:$0x3] =	sbarrier.arrive $0xFFFF  }
0x324: {  	_ =	shalt  }

</sc_bundles>
